<compile_context>
chip_gen: v7x
topology: tpu7x:2x2x1
jax: 0.10.2.dev20260603
libtpu: 0.0.44.dev20260713+nightly
codegen_flags: <defaults>
</compile_context>

<pallas_src>
import functools

import jax
import jax.numpy as jnp
from jax import lax
from jax.experimental import pallas as pl
from jax.experimental.pallas import tpu as pltpu
from jax.experimental.pallas import tpu_sc as plsc

N_NODES = 10000
N_PAD = 10240
N_EDGES = 160000
D = 256
H = D // 2
CHUNK = 128
N_TILES = 16
K_PER_TILE = 80
N_CHUNKS = N_TILES * K_PER_TILE
E_PADDED = N_CHUNKS * CHUNK
ROWS_PER_TILE = N_PAD // N_TILES


def _sc_segment_sum(xh, src_idx, dst_idx, zeros):
    mesh = plsc.VectorSubcoreMesh(core_axis_name="c", subcore_axis_name="s")

    @functools.partial(
        pl.kernel,
        out_type=jax.ShapeDtypeStruct((2 * N_PAD, H), jnp.float32),
        mesh=mesh,
        scratch_types=[
            pltpu.VMEM((4, CHUNK), jnp.int32),
            pltpu.VMEM((4, CHUNK), jnp.int32),
            pltpu.VMEM((CHUNK, H), jnp.float32),
            pltpu.VMEM((CHUNK, H), jnp.float32),
            pltpu.VMEM_SHARED((N_PAD, H), jnp.float32),
        ]
        + [pltpu.SemaphoreType.DMA] * 8,
    )
    def sc_kernel(xh_hbm, src_hbm, dst_hbm, zeros_hbm, out_hbm,
                  srcq, dstq, rows0, rows1, acc_sh, *sems):
        sem_i = sems[:4]
        sem_g = sems[4:6]
        sem_s = sems[6:8]
        rows = (rows0, rows1)
        c = lax.axis_index("c")
        s = lax.axis_index("s")

        def i_start(k, q):
            i = k * N_TILES + s
            pltpu.async_copy(src_hbm.at[c, i], srcq.at[q], sem_i[q])
            pltpu.async_copy(dst_hbm.at[i], dstq.at[q], sem_i[q])

        def i_wait(k, q):
            i = k * N_TILES + s
            pltpu.make_async_copy(src_hbm.at[c, i], srcq.at[q], sem_i[q]).wait()
            pltpu.make_async_copy(dst_hbm.at[i], dstq.at[q], sem_i[q]).wait()

        def g_start(q, r):
            pltpu.async_copy(xh_hbm.at[srcq.at[q]], rows[r], sem_g[r])

        def g_wait(q, r):
            pltpu.make_async_copy(xh_hbm.at[srcq.at[q]], rows[r], sem_g[r]).wait()

        def s_start(q, r):
            pltpu.async_copy(rows[r], acc_sh.at[dstq.at[q]], sem_s[r], add=True)

        def s_wait(q, r):
            pltpu.make_async_copy(rows[r], acc_sh.at[dstq.at[q]], sem_s[r]).wait()

        def body(k, do_swait=True, do_iwg=True, do_istart=True):
            r = k % 2
            rb = 1 - r
            q = k % 4
            if do_swait:
                s_wait((k - 1) % 4, rb)
            if do_iwg:
                i_wait(k + 1, (k + 1) % 4)
                g_start((k + 1) % 4, rb)
            g_wait(q, r)
            s_start(q, r)
            if do_istart:
                i_start(k + 3, (k + 3) % 4)

        i_start(0, 0)
        i_start(1, 1)
        i_start(2, 2)
        i_wait(0, 0)
        g_start(0, 0)
        pltpu.sync_copy(zeros_hbm, rows1)
        for z in range(ROWS_PER_TILE // CHUNK):
            pltpu.sync_copy(
                rows1, acc_sh.at[pl.ds(s * ROWS_PER_TILE + z * CHUNK, CHUNK)])
        plsc.subcore_barrier()

        body(0, do_swait=False)
        body(1)

        @pl.loop(0, (K_PER_TILE - 8) // 4)
        def _(g):
            for jj in range(4):
                body_k = jj + 2
                k_dyn = g * 4 + body_k
                r = body_k % 2
                rb = 1 - r
                q = body_k % 4
                s_wait((body_k - 1) % 4, rb)
                i_wait(k_dyn + 1, (body_k + 1) % 4)
                g_start((body_k + 1) % 4, rb)
                g_wait(q, r)
                s_start(q, r)
                i_start(k_dyn + 3, (body_k + 3) % 4)

        body(74)
        body(75)
        body(76)
        body(77, do_istart=False)
        body(78, do_istart=False)
        body(79, do_iwg=False, do_istart=False)
        s_wait(79 % 4, 1)

        plsc.subcore_barrier()
        pltpu.sync_copy(
            acc_sh.at[pl.ds(s * ROWS_PER_TILE, ROWS_PER_TILE)],
            out_hbm.at[pl.ds(c * N_PAD + s * ROWS_PER_TILE, ROWS_PER_TILE)],
        )

    return sc_kernel(xh, src_idx, dst_idx, zeros)


def _tc_finish_body(a0_ref, a1_ref, x_ref, w0_ref, w1_ref, wr_ref, b_ref, o_ref):
    y = jnp.dot(a0_ref[...], w0_ref[...], preferred_element_type=jnp.float32)
    y = y + jnp.dot(a1_ref[...], w1_ref[...], preferred_element_type=jnp.float32)
    y = y + jnp.dot(x_ref[...], wr_ref[...], preferred_element_type=jnp.float32)
    y = y + b_ref[...]
    m = jnp.max(y, axis=-1, keepdims=True)
    t = y - m
    lse = jnp.log(jnp.sum(jnp.exp(t), axis=-1, keepdims=True))
    o_ref[...] = t - lse


def _tc_finish(agg0, agg1, x, w0, w1, wr, b2d):
    n = x.shape[0]
    blk = 1000
    return pl.pallas_call(
        _tc_finish_body,
        grid=(n // blk,),
        in_specs=[
            pl.BlockSpec((blk, H), lambda i: (i, 0)),
            pl.BlockSpec((blk, H), lambda i: (i, 0)),
            pl.BlockSpec((blk, D), lambda i: (i, 0)),
            pl.BlockSpec((H, D), lambda i: (0, 0)),
            pl.BlockSpec((H, D), lambda i: (0, 0)),
            pl.BlockSpec((D, D), lambda i: (0, 0)),
            pl.BlockSpec((1, D), lambda i: (0, 0)),
        ],
        out_specs=pl.BlockSpec((blk, D), lambda i: (i, 0)),
        out_shape=jax.ShapeDtypeStruct((n, D), jnp.float32),
    )(agg0, agg1, x, w0, w1, wr, b2d)


def kernel(x, edge_index, W_rel, W_root, b):
    src = edge_index[0]
    dst = edge_index[1]
    n_extra = E_PADDED - N_EDGES
    pad_src = jnp.arange(n_extra, dtype=jnp.int32) * 37 % N_NODES
    src_p = jnp.concatenate([src, pad_src])
    src0 = src_p.reshape(N_CHUNKS, CHUNK)
    src1 = (src_p + N_NODES).reshape(N_CHUNKS, CHUNK)
    dst_pad = jnp.concatenate(
        [dst, N_NODES + (jnp.arange(n_extra, dtype=jnp.int32) % (N_PAD - N_NODES))])
    src_idx = jnp.stack([src0, src1])
    dst_idx = dst_pad.reshape(N_CHUNKS, CHUNK)
    xh = jnp.concatenate([x[:, :H], x[:, H:]], axis=0)
    zeros = jnp.zeros((CHUNK, H), jnp.float32)

    agg_cat = _sc_segment_sum(xh, src_idx, dst_idx, zeros)

    out = _tc_finish(
        agg_cat[:N_NODES], agg_cat[N_PAD:N_PAD + N_NODES], x,
        W_rel[:, :H].T, W_rel[:, H:].T, W_root.T, b.reshape(1, D),
    )
    return out

# --- scband reference (transcript-rebuilt; emitter-appended) ---
"""Pipeline reference for scband-cls-5789615915290 (READ-ONLY COPY).

The authoritative reference and input builder live on the scoring server;
editing this copy changes nothing except your own understanding.
"""

import jax, jax.numpy as jnp
import numpy as np

N, E, D_IN, D_OUT = 10000, 160000, 256, 256

def setup_inputs(seed: int = 0) -> dict:
    key = jax.random.key(seed)
    k1, k2, k3, k4, k5 = jax.random.split(key, 5)
    x = jax.random.normal(k1, (N, D_IN), dtype=jnp.float32)
    edge_index = jax.random.randint(k2, (2, E), 0, N, dtype=jnp.int32)
    # GraphConv (PyG) params: lin_rel (applied to aggregated neighbors, with bias) and lin_root (applied to self features)
    bound = 1.0 / np.sqrt(D_IN)
    W_rel = jax.random.uniform(k3, (D_OUT, D_IN), dtype=jnp.float32, minval=-bound, maxval=bound)
    W_root = jax.random.uniform(k4, (D_OUT, D_IN), dtype=jnp.float32, minval=-bound, maxval=bound)
    b = jax.random.uniform(k5, (D_OUT,), dtype=jnp.float32, minval=-bound, maxval=bound)
    return {"x": x, "edge_index": edge_index, "W_rel": W_rel, "W_root": W_root, "b": b}

def reference(x, edge_index, W_rel, W_root, b):
    # GraphConv with aggr='add': out_i = W_rel @ (sum_{j in N(i)} x_j) + b + W_root @ x_i
    src = edge_index[0]
    dst = edge_index[1]
    msgs = jnp.take(x, src, axis=0)                      # gather x_j  [E, d_in]
    agg = jax.ops.segment_sum(msgs, dst, num_segments=x.shape[0])  # scatter-add to dst [N, d_in]
    out = agg @ W_rel.T + b + x @ W_root.T               # [N, d_out]
    return jax.nn.log_softmax(out, axis=-1)

if __name__ == "__main__":
    import jax
    _d = setup_inputs()
    print(jax.jit(kernel)(*tuple(_d.values())))

</pallas_src>

<mosaic_0001>
#map = affine_map<(d0, d1) -> (0, 0)>
#map1 = affine_map<(d0, d1) -> (0, 0, 0)>
module attributes {stable_mosaic.version = 14 : i64} {
  func.func @sc_kernel(%arg0: i32, %arg1: i32, %arg2: memref<20000x128xf32, #tpu.memory_space<hbm>>, %arg3: memref<2x1280x128xi32, #tpu.memory_space<hbm>>, %arg4: memref<1280x128xi32, #tpu.memory_space<hbm>>, %arg5: memref<128x128xf32, #tpu.memory_space<hbm>>, %arg6: memref<20480x128xf32, #tpu.memory_space<hbm>>, %arg7: memref<4x128xi32, #tpu.memory_space<vmem>>, %arg8: memref<4x128xi32, #tpu.memory_space<vmem>>, %arg9: memref<128x128xf32, #tpu.memory_space<vmem>>, %arg10: memref<128x128xf32, #tpu.memory_space<vmem>>, %arg11: memref<10240x128xf32, #tpu.memory_space<vmem_shared>>, %arg12: memref<!tpu.dma_semaphore, #tpu.memory_space<semaphore_mem>>, %arg13: memref<!tpu.dma_semaphore, #tpu.memory_space<semaphore_mem>>, %arg14: memref<!tpu.dma_semaphore, #tpu.memory_space<semaphore_mem>>, %arg15: memref<!tpu.dma_semaphore, #tpu.memory_space<semaphore_mem>>, %arg16: memref<!tpu.dma_semaphore, #tpu.memory_space<semaphore_mem>>, %arg17: memref<!tpu.dma_semaphore, #tpu.memory_space<semaphore_mem>>, %arg18: memref<!tpu.dma_semaphore, #tpu.memory_space<semaphore_mem>>, %arg19: memref<!tpu.dma_semaphore, #tpu.memory_space<semaphore_mem>>) attributes {dimension_semantics = [#tpu.dimension_semantics<core_parallel>, #tpu.dimension_semantics<subcore_parallel>], iteration_bounds = array<i64: 2, 16>, scalar_prefetch = 0 : i64, scratch_operands = 13 : i64, tpu.core_type = #tpu.core_type<sc_vector_subcore>, window_params = [{transform_indices = #map}, {transform_indices = #map1}, {transform_indices = #map}, {transform_indices = #map}, {transform_indices = #map}]} {
    %add3A = arith.constant 0 : i32
    %add3A_0 = arith.addi %add3A, %arg1 : i32
    %dma_start3A = arith.constant 0 : i32
    %dma_start3A_1 = arith.constant 0 : i32
    %dma_start3A_2 = tpu.memref_slice %arg7[%dma_start3A, %dma_start3A_1] : memref<4x128xi32, #tpu.memory_space<vmem>> -> memref<1x128xi32, #tpu.memory_space<vmem>>
    %dma_start3A_3 = tpu.memref_squeeze %dma_start3A_2 : memref<1x128xi32, #tpu.memory_space<vmem>> -> memref<128xi32, #tpu.memory_space<vmem>>
    %dma_start3A_4 = arith.constant 0 : i32
    %dma_start3A_5 = tpu.memref_slice %arg3[%arg0, %add3A_0, %dma_start3A_4] : memref<2x1280x128xi32, #tpu.memory_space<hbm>> -> memref<1x1x128xi32, #tpu.memory_space<hbm>>
    %dma_start3A_6 = tpu.memref_squeeze %dma_start3A_5 : memref<1x1x128xi32, #tpu.memory_space<hbm>> -> memref<128xi32, #tpu.memory_space<hbm>>
    %dma_start3A_7 = arith.constant 0 : i32
    %dma_start3A_8 = tpu.memref_slice %arg7[%dma_start3A, %dma_start3A_7] : memref<4x128xi32, #tpu.memory_space<vmem>> -> memref<1x128xi32, #tpu.memory_space<vmem>>
    %dma_start3A_9 = tpu.memref_squeeze %dma_start3A_8 : memref<1x128xi32, #tpu.memory_space<vmem>> -> memref<128xi32, #tpu.memory_space<vmem>>
    %dma_start3A_10 = arith.constant 0 : i32
    %dma_start3A_11 = tpu.memref_slice %arg3[%arg0, %add3A_0, %dma_start3A_10] : memref<2x1280x128xi32, #tpu.memory_space<hbm>> -> memref<1x1x128xi32, #tpu.memory_space<hbm>>
    %dma_start3A_12 = tpu.memref_squeeze %dma_start3A_11 : memref<1x1x128xi32, #tpu.memory_space<hbm>> -> memref<128xi32, #tpu.memory_space<hbm>>
    tpu.enqueue_dma source(%dma_start3A_12 : memref<128xi32, #tpu.memory_space<hbm>>) target(%dma_start3A_9 : memref<128xi32, #tpu.memory_space<vmem>>) target_semaphore(%arg12 : memref<!tpu.dma_semaphore, #tpu.memory_space<semaphore_mem>>)
    %dma_start3A_13 = arith.constant 0 : i32
    %dma_start3A_14 = arith.constant 0 : i32
    %dma_start3A_15 = tpu.memref_slice %arg8[%dma_start3A_13, %dma_start3A_14] : memref<4x128xi32, #tpu.memory_space<vmem>> -> memref<1x128xi32, #tpu.memory_space<vmem>>
    %dma_start3A_16 = tpu.memref_squeeze %dma_start3A_15 : memref<1x128xi32, #tpu.memory_space<vmem>> -> memref<128xi32, #tpu.memory_space<vmem>>
    %dma_start3A_17 = arith.constant 0 : i32
    %dma_start3A_18 = tpu.memref_slice %arg4[%add3A_0, %dma_start3A_17] : memref<1280x128xi32, #tpu.memory_space<hbm>> -> memref<1x128xi32, #tpu.memory_space<hbm>>
    %dma_start3A_19 = tpu.memref_squeeze %dma_start3A_18 : memref<1x128xi32, #tpu.memory_space<hbm>> -> memref<128xi32, #tpu.memory_space<hbm>>
    %dma_start3A_20 = arith.constant 0 : i32
    %dma_start3A_21 = tpu.memref_slice %arg8[%dma_start3A_13, %dma_start3A_20] : memref<4x128xi32, #tpu.memory_space<vmem>> -> memref<1x128xi32, #tpu.memory_space<vmem>>
    %dma_start3A_22 = tpu.memref_squeeze %dma_start3A_21 : memref<1x128xi32, #tpu.memory_space<vmem>> -> memref<128xi32, #tpu.memory_space<vmem>>
    %dma_start3A_23 = arith.constant 0 : i32
    %dma_start3A_24 = tpu.memref_slice %arg4[%add3A_0, %dma_start3A_23] : memref<1280x128xi32, #tpu.memory_space<hbm>> -> memref<1x128xi32, #tpu.memory_space<hbm>>
    %dma_start3A_25 = tpu.memref_squeeze %dma_start3A_24 : memref<1x128xi32, #tpu.memory_space<hbm>> -> memref<128xi32, #tpu.memory_space<hbm>>
    tpu.enqueue_dma source(%dma_start3A_25 : memref<128xi32, #tpu.memory_space<hbm>>) target(%dma_start3A_22 : memref<128xi32, #tpu.memory_space<vmem>>) target_semaphore(%arg12 : memref<!tpu.dma_semaphore, #tpu.memory_space<semaphore_mem>>)
    %add3A_26 = arith.constant 16 : i32
    %add3A_27 = arith.addi %add3A_26, %arg1 : i32
    %dma_start3A_28 = arith.constant 1 : i32
    %dma_start3A_29 = arith.constant 0 : i32
    %dma_start3A_30 = tpu.memref_slice %arg7[%dma_start3A_28, %dma_start3A_29] : memref<4x128xi32, #tpu.memory_space<vmem>> -> memref<1x128xi32, #tpu.memory_space<vmem>>
    %dma_start3A_31 = tpu.memref_squeeze %dma_start3A_30 : memref<1x128xi32, #tpu.memory_space<vmem>> -> memref<128xi32, #tpu.memory_space<vmem>>
    %dma_start3A_32 = arith.constant 0 : i32
    %dma_start3A_33 = tpu.memref_slice %arg3[%arg0, %add3A_27, %dma_start3A_32] : memref<2x1280x128xi32, #tpu.memory_space<hbm>> -> memref<1x1x128xi32, #tpu.memory_space<hbm>>
    %dma_start3A_34 = tpu.memref_squeeze %dma_start3A_33 : memref<1x1x128xi32, #tpu.memory_space<hbm>> -> memref<128xi32, #tpu.memory_space<hbm>>
    %dma_start3A_35 = arith.constant 0 : i32
    %dma_start3A_36 = tpu.memref_slice %arg7[%dma_start3A_28, %dma_start3A_35] : memref<4x128xi32, #tpu.memory_space<vmem>> -> memref<1x128xi32, #tpu.memory_space<vmem>>
    %dma_start3A_37 = tpu.memref_squeeze %dma_start3A_36 : memref<1x128xi32, #tpu.memory_space<vmem>> -> memref<128xi32, #tpu.memory_space<vmem>>
    %dma_start3A_38 = arith.constant 0 : i32
    %dma_start3A_39 = tpu.memref_slice %arg3[%arg0, %add3A_27, %dma_start3A_38] : memref<2x1280x128xi32, #tpu.memory_space<hbm>> -> memref<1x1x128xi32, #tpu.memory_space<hbm>>
    %dma_start3A_40 = tpu.memref_squeeze %dma_start3A_39 : memref<1x1x128xi32, #tpu.memory_space<hbm>> -> memref<128xi32, #tpu.memory_space<hbm>>
    tpu.enqueue_dma source(%dma_start3A_40 : memref<128xi32, #tpu.memory_space<hbm>>) target(%dma_start3A_37 : memref<128xi32, #tpu.memory_space<vmem>>) target_semaphore(%arg13 : memref<!tpu.dma_semaphore, #tpu.memory_space<semaphore_mem>>)
    %dma_start3A_41 = arith.constant 1 : i32
    %dma_start3A_42 = arith.constant 0 : i32
    %dma_start3A_43 = tpu.memref_slice %arg8[%dma_start3A_41, %dma_start3A_42] : memref<4x128xi32, #tpu.memory_space<vmem>> -> memref<1x128xi32, #tpu.memory_space<vmem>>
    %dma_start3A_44 = tpu.memref_squeeze %dma_start3A_43 : memref<1x128xi32, #tpu.memory_space<vmem>> -> memref<128xi32, #tpu.memory_space<vmem>>
    %dma_start3A_45 = arith.constant 0 : i32
    %dma_start3A_46 = tpu.memref_slice %arg4[%add3A_27, %dma_start3A_45] : memref<1280x128xi32, #tpu.memory_space<hbm>> -> memref<1x128xi32, #tpu.memory_space<hbm>>
    %dma_start3A_47 = tpu.memref_squeeze %dma_start3A_46 : memref<1x128xi32, #tpu.memory_space<hbm>> -> memref<128xi32, #tpu.memory_space<hbm>>
    %dma_start3A_48 = arith.constant 0 : i32
    %dma_start3A_49 = tpu.memref_slice %arg8[%dma_start3A_41, %dma_start3A_48] : memref<4x128xi32, #tpu.memory_space<vmem>> -> memref<1x128xi32, #tpu.memory_space<vmem>>
    %dma_start3A_50 = tpu.memref_squeeze %dma_start3A_49 : memref<1x128xi32, #tpu.memory_space<vmem>> -> memref<128xi32, #tpu.memory_space<vmem>>
    %dma_start3A_51 = arith.constant 0 : i32
    %dma_start3A_52 = tpu.memref_slice %arg4[%add3A_27, %dma_start3A_51] : memref<1280x128xi32, #tpu.memory_space<hbm>> -> memref<1x128xi32, #tpu.memory_space<hbm>>
    %dma_start3A_53 = tpu.memref_squeeze %dma_start3A_52 : memref<1x128xi32, #tpu.memory_space<hbm>> -> memref<128xi32, #tpu.memory_space<hbm>>
    tpu.enqueue_dma source(%dma_start3A_53 : memref<128xi32, #tpu.memory_space<hbm>>) target(%dma_start3A_50 : memref<128xi32, #tpu.memory_space<vmem>>) target_semaphore(%arg13 : memref<!tpu.dma_semaphore, #tpu.memory_space<semaphore_mem>>)
    %add3A_54 = arith.constant 32 : i32
    %add3A_55 = arith.addi %add3A_54, %arg1 : i32
    %dma_start3A_56 = arith.constant 2 : i32
    %dma_start3A_57 = arith.constant 0 : i32
    %dma_start3A_58 = tpu.memref_slice %arg7[%dma_start3A_56, %dma_start3A_57] : memref<4x128xi32, #tpu.memory_space<vmem>> -> memref<1x128xi32, #tpu.memory_space<vmem>>
    %dma_start3A_59 = tpu.memref_squeeze %dma_start3A_58 : memref<1x128xi32, #tpu.memory_space<vmem>> -> memref<128xi32, #tpu.memory_space<vmem>>
    %dma_start3A_60 = arith.constant 0 : i32
    %dma_start3A_61 = tpu.memref_slice %arg3[%arg0, %add3A_55, %dma_start3A_60] : memref<2x1280x128xi32, #tpu.memory_space<hbm>> -> memref<1x1x128xi32, #tpu.memory_space<hbm>>
    %dma_start3A_62 = tpu.memref_squeeze %dma_start3A_61 : memref<1x1x128xi32, #tpu.memory_space<hbm>> -> memref<128xi32, #tpu.memory_space<hbm>>
    %dma_start3A_63 = arith.constant 0 : i32
    %dma_start3A_64 = tpu.memref_slice %arg7[%dma_start3A_56, %dma_start3A_63] : memref<4x128xi32, #tpu.memory_space<vmem>> -> memref<1x128xi32, #tpu.memory_space<vmem>>
    %dma_start3A_65 = tpu.memref_squeeze %dma_start3A_64 : memref<1x128xi32, #tpu.memory_space<vmem>> -> memref<128xi32, #tpu.memory_space<vmem>>
    %dma_start3A_66 = arith.constant 0 : i32
    %dma_start3A_67 = tpu.memref_slice %arg3[%arg0, %add3A_55, %dma_start3A_66] : memref<2x1280x128xi32, #tpu.memory_space<hbm>> -> memref<1x1x128xi32, #tpu.memory_space<hbm>>
    %dma_start3A_68 = tpu.memref_squeeze %dma_start3A_67 : memref<1x1x128xi32, #tpu.memory_space<hbm>> -> memref<128xi32, #tpu.memory_space<hbm>>
    tpu.enqueue_dma source(%dma_start3A_68 : memref<128xi32, #tpu.memory_space<hbm>>) target(%dma_start3A_65 : memref<128xi32, #tpu.memory_space<vmem>>) target_semaphore(%arg14 : memref<!tpu.dma_semaphore, #tpu.memory_space<semaphore_mem>>)
    %dma_start3A_69 = arith.constant 2 : i32
    %dma_start3A_70 = arith.constant 0 : i32
    %dma_start3A_71 = tpu.memref_slice %arg8[%dma_start3A_69, %dma_start3A_70] : memref<4x128xi32, #tpu.memory_space<vmem>> -> memref<1x128xi32, #tpu.memory_space<vmem>>
    %dma_start3A_72 = tpu.memref_squeeze %dma_start3A_71 : memref<1x128xi32, #tpu.memory_space<vmem>> -> memref<128xi32, #tpu.memory_space<vmem>>
    %dma_start3A_73 = arith.constant 0 : i32
    %dma_start3A_74 = tpu.memref_slice %arg4[%add3A_55, %dma_start3A_73] : memref<1280x128xi32, #tpu.memory_space<hbm>> -> memref<1x128xi32, #tpu.memory_space<hbm>>
    %dma_start3A_75 = tpu.memref_squeeze %dma_start3A_74 : memref<1x128xi32, #tpu.memory_space<hbm>> -> memref<128xi32, #tpu.memory_space<hbm>>
    %dma_start3A_76 = arith.constant 0 : i32
    %dma_start3A_77 = tpu.memref_slice %arg8[%dma_start3A_69, %dma_start3A_76] : memref<4x128xi32, #tpu.memory_space<vmem>> -> memref<1x128xi32, #tpu.memory_space<vmem>>
    %dma_start3A_78 = tpu.memref_squeeze %dma_start3A_77 : memref<1x128xi32, #tpu.memory_space<vmem>> -> memref<128xi32, #tpu.memory_space<vmem>>
    %dma_start3A_79 = arith.constant 0 : i32
    %dma_start3A_80 = tpu.memref_slice %arg4[%add3A_55, %dma_start3A_79] : memref<1280x128xi32, #tpu.memory_space<hbm>> -> memref<1x128xi32, #tpu.memory_space<hbm>>
    %dma_start3A_81 = tpu.memref_squeeze %dma_start3A_80 : memref<1x128xi32, #tpu.memory_space<hbm>> -> memref<128xi32, #tpu.memory_space<hbm>>
    tpu.enqueue_dma source(%dma_start3A_81 : memref<128xi32, #tpu.memory_space<hbm>>) target(%dma_start3A_78 : memref<128xi32, #tpu.memory_space<vmem>>) target_semaphore(%arg14 : memref<!tpu.dma_semaphore, #tpu.memory_space<semaphore_mem>>)
    %add3A_82 = arith.constant 0 : i32
    %add3A_83 = arith.addi %add3A_82, %arg1 : i32
    %dma_wait3A = arith.constant 0 : i32
    %dma_wait3A_84 = arith.constant 0 : i32
    %dma_wait3A_85 = tpu.memref_slice %arg7[%dma_wait3A, %dma_wait3A_84] : memref<4x128xi32, #tpu.memory_space<vmem>> -> memref<1x128xi32, #tpu.memory_space<vmem>>
    %dma_wait3A_86 = tpu.memref_squeeze %dma_wait3A_85 : memref<1x128xi32, #tpu.memory_space<vmem>> -> memref<128xi32, #tpu.memory_space<vmem>>
    %dma_wait3A_87 = arith.constant 0 : i32
    %dma_wait3A_88 = tpu.memref_slice %arg3[%arg0, %add3A_83, %dma_wait3A_87] : memref<2x1280x128xi32, #tpu.memory_space<hbm>> -> memref<1x1x128xi32, #tpu.memory_space<hbm>>
    %dma_wait3A_89 = tpu.memref_squeeze %dma_wait3A_88 : memref<1x1x128xi32, #tpu.memory_space<hbm>> -> memref<128xi32, #tpu.memory_space<hbm>>
    %dma_wait3A_90 = arith.constant 0 : i32
    %dma_wait3A_91 = tpu.memref_slice %arg7[%dma_wait3A, %dma_wait3A_90] : memref<4x128xi32, #tpu.memory_space<vmem>> -> memref<1x128xi32, #tpu.memory_space<vmem>>
    %dma_wait3A_92 = tpu.memref_squeeze %dma_wait3A_91 : memref<1x128xi32, #tpu.memory_space<vmem>> -> memref<128xi32, #tpu.memory_space<vmem>>
    %dma_wait3A_93 = arith.constant 0 : i32
    %dma_wait3A_94 = tpu.memref_slice %arg3[%arg0, %add3A_83, %dma_wait3A_93] : memref<2x1280x128xi32, #tpu.memory_space<hbm>> -> memref<1x1x128xi32, #tpu.memory_space<hbm>>
    %dma_wait3A_95 = tpu.memref_squeeze %dma_wait3A_94 : memref<1x1x128xi32, #tpu.memory_space<hbm>> -> memref<128xi32, #tpu.memory_space<hbm>>
    tpu.wait_dma2 semaphore(%arg12 : memref<!tpu.dma_semaphore, #tpu.memory_space<semaphore_mem>>) src(%dma_wait3A_95 : memref<128xi32, #tpu.memory_space<hbm>>) dst(%dma_wait3A_92 : memref<128xi32, #tpu.memory_space<vmem>>)
    %dma_wait3A_96 = arith.constant 0 : i32
    %dma_wait3A_97 = arith.constant 0 : i32
    %dma_wait3A_98 = tpu.memref_slice %arg8[%dma_wait3A_96, %dma_wait3A_97] : memref<4x128xi32, #tpu.memory_space<vmem>> -> memref<1x128xi32, #tpu.memory_space<vmem>>
    %dma_wait3A_99 = tpu.memref_squeeze %dma_wait3A_98 : memref<1x128xi32, #tpu.memory_space<vmem>> -> memref<128xi32, #tpu.memory_space<vmem>>
    %dma_wait3A_100 = arith.constant 0 : i32
    %dma_wait3A_101 = tpu.memref_slice %arg4[%add3A_83, %dma_wait3A_100] : memref<1280x128xi32, #tpu.memory_space<hbm>> -> memref<1x128xi32, #tpu.memory_space<hbm>>
    %dma_wait3A_102 = tpu.memref_squeeze %dma_wait3A_101 : memref<1x128xi32, #tpu.memory_space<hbm>> -> memref<128xi32, #tpu.memory_space<hbm>>
    %dma_wait3A_103 = arith.constant 0 : i32
    %dma_wait3A_104 = tpu.memref_slice %arg8[%dma_wait3A_96, %dma_wait3A_103] : memref<4x128xi32, #tpu.memory_space<vmem>> -> memref<1x128xi32, #tpu.memory_space<vmem>>
    %dma_wait3A_105 = tpu.memref_squeeze %dma_wait3A_104 : memref<1x128xi32, #tpu.memory_space<vmem>> -> memref<128xi32, #tpu.memory_space<vmem>>
    %dma_wait3A_106 = arith.constant 0 : i32
    %dma_wait3A_107 = tpu.memref_slice %arg4[%add3A_83, %dma_wait3A_106] : memref<1280x128xi32, #tpu.memory_space<hbm>> -> memref<1x128xi32, #tpu.memory_space<hbm>>
    %dma_wait3A_108 = tpu.memref_squeeze %dma_wait3A_107 : memref<1x128xi32, #tpu.memory_space<hbm>> -> memref<128xi32, #tpu.memory_space<hbm>>
    tpu.wait_dma2 semaphore(%arg12 : memref<!tpu.dma_semaphore, #tpu.memory_space<semaphore_mem>>) src(%dma_wait3A_108 : memref<128xi32, #tpu.memory_space<hbm>>) dst(%dma_wait3A_105 : memref<128xi32, #tpu.memory_space<vmem>>)
    %dma_start3A_109 = arith.constant 0 : i32
    %dma_start3A_110 = arith.constant 0 : i32
    %dma_start3A_111 = tpu.memref_slice %arg7[%dma_start3A_109, %dma_start3A_110] : memref<4x128xi32, #tpu.memory_space<vmem>> -> memref<1x128xi32, #tpu.memory_space<vmem>>
    %dma_start3A_112 = tpu.memref_squeeze %dma_start3A_111 : memref<1x128xi32, #tpu.memory_space<vmem>> -> memref<128xi32, #tpu.memory_space<vmem>>
    %dma_start3A_113 = arith.constant 0 : i32
    %dma_start3A_114 = arith.constant 0 : i32
    %dma_start3A_115 = tpu.memref_slice %arg2[%dma_start3A_113, %dma_start3A_114] : memref<20000x128xf32, #tpu.memory_space<hbm>> -> memref<20000x128xf32, #tpu.memory_space<hbm>>
    tpu.enqueue_indirect_dma source(%dma_start3A_115 : memref<20000x128xf32, #tpu.memory_space<hbm>>) target(%arg9 : memref<128x128xf32, #tpu.memory_space<vmem>>) offsets(%dma_start3A_112 : memref<128xi32, #tpu.memory_space<vmem>>) semaphore(%arg16 : memref<!tpu.dma_semaphore, #tpu.memory_space<semaphore_mem>>)
    "tpu.region"() ({
      %run_scoped3A = tpu.sem_alloc : memref<!tpu.dma_semaphore, #tpu.memory_space<semaphore_mem>>
      tpu.enqueue_dma source(%arg5 : memref<128x128xf32, #tpu.memory_space<hbm>>) target(%arg10 : memref<128x128xf32, #tpu.memory_space<vmem>>) target_semaphore(%run_scoped3A : memref<!tpu.dma_semaphore, #tpu.memory_space<semaphore_mem>>)
      tpu.wait_dma2 semaphore(%run_scoped3A : memref<!tpu.dma_semaphore, #tpu.memory_space<semaphore_mem>>) src(%arg5 : memref<128x128xf32, #tpu.memory_space<hbm>>) dst(%arg10 : memref<128x128xf32, #tpu.memory_space<vmem>>)
      tpu.yield
    }) : () -> ()
    %mul3A = arith.constant 640 : i32
    %mul3A_116 = arith.muli %arg1, %mul3A : i32
    %add3A_117 = arith.constant 0 : i32
    %add3A_118 = arith.addi %mul3A_116, %add3A_117 : i32
    "tpu.region"() ({
      %run_scoped3A = tpu.sem_alloc : memref<!tpu.dma_semaphore, #tpu.memory_space<semaphore_mem>>
      %dma_start3A_700 = arith.constant 0 : i32
      %dma_start3A_701 = tpu.memref_slice %arg11[%add3A_118, %dma_start3A_700] : memref<10240x128xf32, #tpu.memory_space<vmem_shared>> -> memref<128x128xf32, #tpu.memory_space<vmem_shared>>
      %dma_start3A_702 = arith.constant 0 : i32
      %dma_start3A_703 = tpu.memref_slice %arg11[%add3A_118, %dma_start3A_702] : memref<10240x128xf32, #tpu.memory_space<vmem_shared>> -> memref<128x128xf32, #tpu.memory_space<vmem_shared>>
      tpu.enqueue_dma source(%arg10 : memref<128x128xf32, #tpu.memory_space<vmem>>) target(%dma_start3A_703 : memref<128x128xf32, #tpu.memory_space<vmem_shared>>) target_semaphore(%run_scoped3A : memref<!tpu.dma_semaphore, #tpu.memory_space<semaphore_mem>>)
      %dma_wait3A_704 = arith.constant 0 : i32
      %dma_wait3A_705 = tpu.memref_slice %arg11[%add3A_118, %dma_wait3A_704] : memref<10240x128xf32, #tpu.memory_space<vmem_shared>> -> memref<128x128xf32, #tpu.memory_space<vmem_shared>>
      %dma_wait3A_706 = arith.constant 0 : i32
      %dma_wait3A_707 = tpu.memref_slice %arg11[%add3A_118, %dma_wait3A_706] : memref<10240x128xf32, #tpu.memory_space<vmem_shared>> -> memref<128x128xf32, #tpu.memory_space<vmem_shared>>
      tpu.wait_dma2 semaphore(%run_scoped3A : memref<!tpu.dma_semaphore, #tpu.memory_space<semaphore_mem>>) src(%arg10 : memref<128x128xf32, #tpu.memory_space<vmem>>) dst(%dma_wait3A_707 : memref<128x128xf32, #tpu.memory_space<vmem_shared>>)
      tpu.yield
    }) : () -> ()
    %mul3A_119 = arith.constant 640 : i32
    %mul3A_120 = arith.muli %arg1, %mul3A_119 : i32
    %add3A_121 = arith.constant 128 : i32
    %add3A_122 = arith.addi %mul3A_120, %add3A_121 : i32
    "tpu.region"() ({
      %run_scoped3A = tpu.sem_alloc : memref<!tpu.dma_semaphore, #tpu.memory_space<semaphore_mem>>
      %dma_start3A_700 = arith.constant 0 : i32
      %dma_start3A_701 = tpu.memref_slice %arg11[%add3A_122, %dma_start3A_700] : memref<10240x128xf32, #tpu.memory_space<vmem_shared>> -> memref<128x128xf32, #tpu.memory_space<vmem_shared>>
      %dma_start3A_702 = arith.constant 0 : i32
      %dma_start3A_703 = tpu.memref_slice %arg11[%add3A_122, %dma_start3A_702] : memref<10240x128xf32, #tpu.memory_space<vmem_shared>> -> memref<128x128xf32, #tpu.memory_space<vmem_shared>>
      tpu.enqueue_dma source(%arg10 : memref<128x128xf32, #tpu.memory_space<vmem>>) target(%dma_start3A_703 : memref<128x128xf32, #tpu.memory_space<vmem_shared>>) target_semaphore(%run_scoped3A : memref<!tpu.dma_semaphore, #tpu.memory_space<semaphore_mem>>)
      %dma_wait3A_704 = arith.constant 0 : i32
      %dma_wait3A_705 = tpu.memref_slice %arg11[%add3A_122, %dma_wait3A_704] : memref<10240x128xf32, #tpu.memory_space<vmem_shared>> -> memref<128x128xf32, #tpu.memory_space<vmem_shared>>
      %dma_wait3A_706 = arith.constant 0 : i32
      %dma_wait3A_707 = tpu.memref_slice %arg11[%add3A_122, %dma_wait3A_706] : memref<10240x128xf32, #tpu.memory_space<vmem_shared>> -> memref<128x128xf32, #tpu.memory_space<vmem_shared>>
      tpu.wait_dma2 semaphore(%run_scoped3A : memref<!tpu.dma_semaphore, #tpu.memory_space<semaphore_mem>>) src(%arg10 : memref<128x128xf32, #tpu.memory_space<vmem>>) dst(%dma_wait3A_707 : memref<128x128xf32, #tpu.memory_space<vmem_shared>>)
      tpu.yield
    }) : () -> ()
    %mul3A_123 = arith.constant 640 : i32
    %mul3A_124 = arith.muli %arg1, %mul3A_123 : i32
    %add3A_125 = arith.constant 256 : i32
    %add3A_126 = arith.addi %mul3A_124, %add3A_125 : i32
    "tpu.region"() ({
      %run_scoped3A = tpu.sem_alloc : memref<!tpu.dma_semaphore, #tpu.memory_space<semaphore_mem>>
      %dma_start3A_700 = arith.constant 0 : i32
      %dma_start3A_701 = tpu.memref_slice %arg11[%add3A_126, %dma_start3A_700] : memref<10240x128xf32, #tpu.memory_space<vmem_shared>> -> memref<128x128xf32, #tpu.memory_space<vmem_shared>>
      %dma_start3A_702 = arith.constant 0 : i32
      %dma_start3A_703 = tpu.memref_slice %arg11[%add3A_126, %dma_start3A_702] : memref<10240x128xf32, #tpu.memory_space<vmem_shared>> -> memref<128x128xf32, #tpu.memory_space<vmem_shared>>
      tpu.enqueue_dma source(%arg10 : memref<128x128xf32, #tpu.memory_space<vmem>>) target(%dma_start3A_703 : memref<128x128xf32, #tpu.memory_space<vmem_shared>>) target_semaphore(%run_scoped3A : memref<!tpu.dma_semaphore, #tpu.memory_space<semaphore_mem>>)
      %dma_wait3A_704 = arith.constant 0 : i32
      %dma_wait3A_705 = tpu.memref_slice %arg11[%add3A_126, %dma_wait3A_704] : memref<10240x128xf32, #tpu.memory_space<vmem_shared>> -> memref<128x128xf32, #tpu.memory_space<vmem_shared>>
      %dma_wait3A_706 = arith.constant 0 : i32
      %dma_wait3A_707 = tpu.memref_slice %arg11[%add3A_126, %dma_wait3A_706] : memref<10240x128xf32, #tpu.memory_space<vmem_shared>> -> memref<128x128xf32, #tpu.memory_space<vmem_shared>>
      tpu.wait_dma2 semaphore(%run_scoped3A : memref<!tpu.dma_semaphore, #tpu.memory_space<semaphore_mem>>) src(%arg10 : memref<128x128xf32, #tpu.memory_space<vmem>>) dst(%dma_wait3A_707 : memref<128x128xf32, #tpu.memory_space<vmem_shared>>)
      tpu.yield
    }) : () -> ()
    %mul3A_127 = arith.constant 640 : i32
    %mul3A_128 = arith.muli %arg1, %mul3A_127 : i32
    %add3A_129 = arith.constant 384 : i32
    %add3A_130 = arith.addi %mul3A_128, %add3A_129 : i32
    "tpu.region"() ({
      %run_scoped3A = tpu.sem_alloc : memref<!tpu.dma_semaphore, #tpu.memory_space<semaphore_mem>>
      %dma_start3A_700 = arith.constant 0 : i32
      %dma_start3A_701 = tpu.memref_slice %arg11[%add3A_130, %dma_start3A_700] : memref<10240x128xf32, #tpu.memory_space<vmem_shared>> -> memref<128x128xf32, #tpu.memory_space<vmem_shared>>
      %dma_start3A_702 = arith.constant 0 : i32
      %dma_start3A_703 = tpu.memref_slice %arg11[%add3A_130, %dma_start3A_702] : memref<10240x128xf32, #tpu.memory_space<vmem_shared>> -> memref<128x128xf32, #tpu.memory_space<vmem_shared>>
      tpu.enqueue_dma source(%arg10 : memref<128x128xf32, #tpu.memory_space<vmem>>) target(%dma_start3A_703 : memref<128x128xf32, #tpu.memory_space<vmem_shared>>) target_semaphore(%run_scoped3A : memref<!tpu.dma_semaphore, #tpu.memory_space<semaphore_mem>>)
      %dma_wait3A_704 = arith.constant 0 : i32
      %dma_wait3A_705 = tpu.memref_slice %arg11[%add3A_130, %dma_wait3A_704] : memref<10240x128xf32, #tpu.memory_space<vmem_shared>> -> memref<128x128xf32, #tpu.memory_space<vmem_shared>>
      %dma_wait3A_706 = arith.constant 0 : i32
      %dma_wait3A_707 = tpu.memref_slice %arg11[%add3A_130, %dma_wait3A_706] : memref<10240x128xf32, #tpu.memory_space<vmem_shared>> -> memref<128x128xf32, #tpu.memory_space<vmem_shared>>
      tpu.wait_dma2 semaphore(%run_scoped3A : memref<!tpu.dma_semaphore, #tpu.memory_space<semaphore_mem>>) src(%arg10 : memref<128x128xf32, #tpu.memory_space<vmem>>) dst(%dma_wait3A_707 : memref<128x128xf32, #tpu.memory_space<vmem_shared>>)
      tpu.yield
    }) : () -> ()
    %mul3A_131 = arith.constant 640 : i32
    %mul3A_132 = arith.muli %arg1, %mul3A_131 : i32
    %add3A_133 = arith.constant 512 : i32
    %add3A_134 = arith.addi %mul3A_132, %add3A_133 : i32
    "tpu.region"() ({
      %run_scoped3A = tpu.sem_alloc : memref<!tpu.dma_semaphore, #tpu.memory_space<semaphore_mem>>
      %dma_start3A_700 = arith.constant 0 : i32
      %dma_start3A_701 = tpu.memref_slice %arg11[%add3A_134, %dma_start3A_700] : memref<10240x128xf32, #tpu.memory_space<vmem_shared>> -> memref<128x128xf32, #tpu.memory_space<vmem_shared>>
      %dma_start3A_702 = arith.constant 0 : i32
      %dma_start3A_703 = tpu.memref_slice %arg11[%add3A_134, %dma_start3A_702] : memref<10240x128xf32, #tpu.memory_space<vmem_shared>> -> memref<128x128xf32, #tpu.memory_space<vmem_shared>>
      tpu.enqueue_dma source(%arg10 : memref<128x128xf32, #tpu.memory_space<vmem>>) target(%dma_start3A_703 : memref<128x128xf32, #tpu.memory_space<vmem_shared>>) target_semaphore(%run_scoped3A : memref<!tpu.dma_semaphore, #tpu.memory_space<semaphore_mem>>)
      %dma_wait3A_704 = arith.constant 0 : i32
      %dma_wait3A_705 = tpu.memref_slice %arg11[%add3A_134, %dma_wait3A_704] : memref<10240x128xf32, #tpu.memory_space<vmem_shared>> -> memref<128x128xf32, #tpu.memory_space<vmem_shared>>
      %dma_wait3A_706 = arith.constant 0 : i32
      %dma_wait3A_707 = tpu.memref_slice %arg11[%add3A_134, %dma_wait3A_706] : memref<10240x128xf32, #tpu.memory_space<vmem_shared>> -> memref<128x128xf32, #tpu.memory_space<vmem_shared>>
      tpu.wait_dma2 semaphore(%run_scoped3A : memref<!tpu.dma_semaphore, #tpu.memory_space<semaphore_mem>>) src(%arg10 : memref<128x128xf32, #tpu.memory_space<vmem>>) dst(%dma_wait3A_707 : memref<128x128xf32, #tpu.memory_space<vmem_shared>>)
      tpu.yield
    }) : () -> ()
    %barrier3A = arith.constant 0 : index
    tpu.barrier barrier_id(%barrier3A)
    %add3A_135 = arith.constant 16 : i32
    %add3A_136 = arith.addi %add3A_135, %arg1 : i32
    %dma_wait3A_137 = arith.constant 1 : i32
    %dma_wait3A_138 = arith.constant 0 : i32
    %dma_wait3A_139 = tpu.memref_slice %arg7[%dma_wait3A_137, %dma_wait3A_138] : memref<4x128xi32, #tpu.memory_space<vmem>> -> memref<1x128xi32, #tpu.memory_space<vmem>>
    %dma_wait3A_140 = tpu.memref_squeeze %dma_wait3A_139 : memref<1x128xi32, #tpu.memory_space<vmem>> -> memref<128xi32, #tpu.memory_space<vmem>>
    %dma_wait3A_141 = arith.constant 0 : i32
    %dma_wait3A_142 = tpu.memref_slice %arg3[%arg0, %add3A_136, %dma_wait3A_141] : memref<2x1280x128xi32, #tpu.memory_space<hbm>> -> memref<1x1x128xi32, #tpu.memory_space<hbm>>
    %dma_wait3A_143 = tpu.memref_squeeze %dma_wait3A_142 : memref<1x1x128xi32, #tpu.memory_space<hbm>> -> memref<128xi32, #tpu.memory_space<hbm>>
    %dma_wait3A_144 = arith.constant 0 : i32
    %dma_wait3A_145 = tpu.memref_slice %arg7[%dma_wait3A_137, %dma_wait3A_144] : memref<4x128xi32, #tpu.memory_space<vmem>> -> memref<1x128xi32, #tpu.memory_space<vmem>>
    %dma_wait3A_146 = tpu.memref_squeeze %dma_wait3A_145 : memref<1x128xi32, #tpu.memory_space<vmem>> -> memref<128xi32, #tpu.memory_space<vmem>>
    %dma_wait3A_147 = arith.constant 0 : i32
    %dma_wait3A_148 = tpu.memref_slice %arg3[%arg0, %add3A_136, %dma_wait3A_147] : memref<2x1280x128xi32, #tpu.memory_space<hbm>> -> memref<1x1x128xi32, #tpu.memory_space<hbm>>
    %dma_wait3A_149 = tpu.memref_squeeze %dma_wait3A_148 : memref<1x1x128xi32, #tpu.memory_space<hbm>> -> memref<128xi32, #tpu.memory_space<hbm>>
    tpu.wait_dma2 semaphore(%arg13 : memref<!tpu.dma_semaphore, #tpu.memory_space<semaphore_mem>>) src(%dma_wait3A_149 : memref<128xi32, #tpu.memory_space<hbm>>) dst(%dma_wait3A_146 : memref<128xi32, #tpu.memory_space<vmem>>)
    %dma_wait3A_150 = arith.constant 1 : i32
    %dma_wait3A_151 = arith.constant 0 : i32
    %dma_wait3A_152 = tpu.memref_slice %arg8[%dma_wait3A_150, %dma_wait3A_151] : memref<4x128xi32, #tpu.memory_space<vmem>> -> memref<1x128xi32, #tpu.memory_space<vmem>>
    %dma_wait3A_153 = tpu.memref_squeeze %dma_wait3A_152 : memref<1x128xi32, #tpu.memory_space<vmem>> -> memref<128xi32, #tpu.memory_space<vmem>>
    %dma_wait3A_154 = arith.constant 0 : i32
    %dma_wait3A_155 = tpu.memref_slice %arg4[%add3A_136, %dma_wait3A_154] : memref<1280x128xi32, #tpu.memory_space<hbm>> -> memref<1x128xi32, #tpu.memory_space<hbm>>
    %dma_wait3A_156 = tpu.memref_squeeze %dma_wait3A_155 : memref<1x128xi32, #tpu.memory_space<hbm>> -> memref<128xi32, #tpu.memory_space<hbm>>
    %dma_wait3A_157 = arith.constant 0 : i32
    %dma_wait3A_158 = tpu.memref_slice %arg8[%dma_wait3A_150, %dma_wait3A_157] : memref<4x128xi32, #tpu.memory_space<vmem>> -> memref<1x128xi32, #tpu.memory_space<vmem>>
    %dma_wait3A_159 = tpu.memref_squeeze %dma_wait3A_158 : memref<1x128xi32, #tpu.memory_space<vmem>> -> memref<128xi32, #tpu.memory_space<vmem>>
    %dma_wait3A_160 = arith.constant 0 : i32
    %dma_wait3A_161 = tpu.memref_slice %arg4[%add3A_136, %dma_wait3A_160] : memref<1280x128xi32, #tpu.memory_space<hbm>> -> memref<1x128xi32, #tpu.memory_space<hbm>>
    %dma_wait3A_162 = tpu.memref_squeeze %dma_wait3A_161 : memref<1x128xi32, #tpu.memory_space<hbm>> -> memref<128xi32, #tpu.memory_space<hbm>>
    tpu.wait_dma2 semaphore(%arg13 : memref<!tpu.dma_semaphore, #tpu.memory_space<semaphore_mem>>) src(%dma_wait3A_162 : memref<128xi32, #tpu.memory_space<hbm>>) dst(%dma_wait3A_159 : memref<128xi32, #tpu.memory_space<vmem>>)
    %dma_start3A_163 = arith.constant 1 : i32
    %dma_start3A_164 = arith.constant 0 : i32
    %dma_start3A_165 = tpu.memref_slice %arg7[%dma_start3A_163, %dma_start3A_164] : memref<4x128xi32, #tpu.memory_space<vmem>> -> memref<1x128xi32, #tpu.memory_space<vmem>>
    %dma_start3A_166 = tpu.memref_squeeze %dma_start3A_165 : memref<1x128xi32, #tpu.memory_space<vmem>> -> memref<128xi32, #tpu.memory_space<vmem>>
    %dma_start3A_167 = arith.constant 0 : i32
    %dma_start3A_168 = arith.constant 0 : i32
    %dma_start3A_169 = tpu.memref_slice %arg2[%dma_start3A_167, %dma_start3A_168] : memref<20000x128xf32, #tpu.memory_space<hbm>> -> memref<20000x128xf32, #tpu.memory_space<hbm>>
    tpu.enqueue_indirect_dma source(%dma_start3A_169 : memref<20000x128xf32, #tpu.memory_space<hbm>>) target(%arg10 : memref<128x128xf32, #tpu.memory_space<vmem>>) offsets(%dma_start3A_166 : memref<128xi32, #tpu.memory_space<vmem>>) semaphore(%arg17 : memref<!tpu.dma_semaphore, #tpu.memory_space<semaphore_mem>>)
    %dma_wait3A_170 = arith.constant 0 : i32
    %dma_wait3A_171 = arith.constant 0 : i32
    %dma_wait3A_172 = tpu.memref_slice %arg7[%dma_wait3A_170, %dma_wait3A_171] : memref<4x128xi32, #tpu.memory_space<vmem>> -> memref<1x128xi32, #tpu.memory_space<vmem>>
    %dma_wait3A_173 = tpu.memref_squeeze %dma_wait3A_172 : memref<1x128xi32, #tpu.memory_space<vmem>> -> memref<128xi32, #tpu.memory_space<vmem>>
    %dma_wait3A_174 = arith.constant 0 : i32
    %dma_wait3A_175 = arith.constant 0 : i32
    %dma_wait3A_176 = tpu.memref_slice %arg2[%dma_wait3A_174, %dma_wait3A_175] : memref<20000x128xf32, #tpu.memory_space<hbm>> -> memref<20000x128xf32, #tpu.memory_space<hbm>>
    tpu.wait_indirect_dma semaphore(%arg16 : memref<!tpu.dma_semaphore, #tpu.memory_space<semaphore_mem>>) src(%dma_wait3A_176 : memref<20000x128xf32, #tpu.memory_space<hbm>>) dst(%arg9 : memref<128x128xf32, #tpu.memory_space<vmem>>)
    %dma_start3A_177 = arith.constant 0 : i32
    %dma_start3A_178 = arith.constant 0 : i32
    %dma_start3A_179 = tpu.memref_slice %arg8[%dma_start3A_177, %dma_start3A_178] : memref<4x128xi32, #tpu.memory_space<vmem>> -> memref<1x128xi32, #tpu.memory_space<vmem>>
    %dma_start3A_180 = tpu.memref_squeeze %dma_start3A_179 : memref<1x128xi32, #tpu.memory_space<vmem>> -> memref<128xi32, #tpu.memory_space<vmem>>
    %dma_start3A_181 = arith.constant 0 : i32
    %dma_start3A_182 = arith.constant 0 : i32
    %dma_start3A_183 = tpu.memref_slice %arg11[%dma_start3A_181, %dma_start3A_182] : memref<10240x128xf32, #tpu.memory_space<vmem_shared>> -> memref<10240x128xf32, #tpu.memory_space<vmem_shared>>
    tpu.enqueue_indirect_dma source(%arg9 : memref<128x128xf32, #tpu.memory_space<vmem>>) target(%dma_start3A_183 : memref<10240x128xf32, #tpu.memory_space<vmem_shared>>) offsets(%dma_start3A_180 : memref<128xi32, #tpu.memory_space<vmem>>) semaphore(%arg18 : memref<!tpu.dma_semaphore, #tpu.memory_space<semaphore_mem>>) {add = true}
    %add3A_184 = arith.constant 48 : i32
    %add3A_185 = arith.addi %add3A_184, %arg1 : i32
    %dma_start3A_186 = arith.constant 3 : i32
    %dma_start3A_187 = arith.constant 0 : i32
    %dma_start3A_188 = tpu.memref_slice %arg7[%dma_start3A_186, %dma_start3A_187] : memref<4x128xi32, #tpu.memory_space<vmem>> -> memref<1x128xi32, #tpu.memory_space<vmem>>
    %dma_start3A_189 = tpu.memref_squeeze %dma_start3A_188 : memref<1x128xi32, #tpu.memory_space<vmem>> -> memref<128xi32, #tpu.memory_space<vmem>>
    %dma_start3A_190 = arith.constant 0 : i32
    %dma_start3A_191 = tpu.memref_slice %arg3[%arg0, %add3A_185, %dma_start3A_190] : memref<2x1280x128xi32, #tpu.memory_space<hbm>> -> memref<1x1x128xi32, #tpu.memory_space<hbm>>
    %dma_start3A_192 = tpu.memref_squeeze %dma_start3A_191 : memref<1x1x128xi32, #tpu.memory_space<hbm>> -> memref<128xi32, #tpu.memory_space<hbm>>
    %dma_start3A_193 = arith.constant 0 : i32
    %dma_start3A_194 = tpu.memref_slice %arg7[%dma_start3A_186, %dma_start3A_193] : memref<4x128xi32, #tpu.memory_space<vmem>> -> memref<1x128xi32, #tpu.memory_space<vmem>>
    %dma_start3A_195 = tpu.memref_squeeze %dma_start3A_194 : memref<1x128xi32, #tpu.memory_space<vmem>> -> memref<128xi32, #tpu.memory_space<vmem>>
    %dma_start3A_196 = arith.constant 0 : i32
    %dma_start3A_197 = tpu.memref_slice %arg3[%arg0, %add3A_185, %dma_start3A_196] : memref<2x1280x128xi32, #tpu.memory_space<hbm>> -> memref<1x1x128xi32, #tpu.memory_space<hbm>>
    %dma_start3A_198 = tpu.memref_squeeze %dma_start3A_197 : memref<1x1x128xi32, #tpu.memory_space<hbm>> -> memref<128xi32, #tpu.memory_space<hbm>>
    tpu.enqueue_dma source(%dma_start3A_198 : memref<128xi32, #tpu.memory_space<hbm>>) target(%dma_start3A_195 : memref<128xi32, #tpu.memory_space<vmem>>) target_semaphore(%arg15 : memref<!tpu.dma_semaphore, #tpu.memory_space<semaphore_mem>>)
    %dma_start3A_199 = arith.constant 3 : i32
    %dma_start3A_200 = arith.constant 0 : i32
    %dma_start3A_201 = tpu.memref_slice %arg8[%dma_start3A_199, %dma_start3A_200] : memref<4x128xi32, #tpu.memory_space<vmem>> -> memref<1x128xi32, #tpu.memory_space<vmem>>
    %dma_start3A_202 = tpu.memref_squeeze %dma_start3A_201 : memref<1x128xi32, #tpu.memory_space<vmem>> -> memref<128xi32, #tpu.memory_space<vmem>>
    %dma_start3A_203 = arith.constant 0 : i32
    %dma_start3A_204 = tpu.memref_slice %arg4[%add3A_185, %dma_start3A_203] : memref<1280x128xi32, #tpu.memory_space<hbm>> -> memref<1x128xi32, #tpu.memory_space<hbm>>
    %dma_start3A_205 = tpu.memref_squeeze %dma_start3A_204 : memref<1x128xi32, #tpu.memory_space<hbm>> -> memref<128xi32, #tpu.memory_space<hbm>>
    %dma_start3A_206 = arith.constant 0 : i32
    %dma_start3A_207 = tpu.memref_slice %arg8[%dma_start3A_199, %dma_start3A_206] : memref<4x128xi32, #tpu.memory_space<vmem>> -> memref<1x128xi32, #tpu.memory_space<vmem>>
    %dma_start3A_208 = tpu.memref_squeeze %dma_start3A_207 : memref<1x128xi32, #tpu.memory_space<vmem>> -> memref<128xi32, #tpu.memory_space<vmem>>
    %dma_start3A_209 = arith.constant 0 : i32
    %dma_start3A_210 = tpu.memref_slice %arg4[%add3A_185, %dma_start3A_209] : memref<1280x128xi32, #tpu.memory_space<hbm>> -> memref<1x128xi32, #tpu.memory_space<hbm>>
    %dma_start3A_211 = tpu.memref_squeeze %dma_start3A_210 : memref<1x128xi32, #tpu.memory_space<hbm>> -> memref<128xi32, #tpu.memory_space<hbm>>
    tpu.enqueue_dma source(%dma_start3A_211 : memref<128xi32, #tpu.memory_space<hbm>>) target(%dma_start3A_208 : memref<128xi32, #tpu.memory_space<vmem>>) target_semaphore(%arg15 : memref<!tpu.dma_semaphore, #tpu.memory_space<semaphore_mem>>)
    %dma_wait3A_212 = arith.constant 0 : i32
    %dma_wait3A_213 = arith.constant 0 : i32
    %dma_wait3A_214 = tpu.memref_slice %arg8[%dma_wait3A_212, %dma_wait3A_213] : memref<4x128xi32, #tpu.memory_space<vmem>> -> memref<1x128xi32, #tpu.memory_space<vmem>>
    %dma_wait3A_215 = tpu.memref_squeeze %dma_wait3A_214 : memref<1x128xi32, #tpu.memory_space<vmem>> -> memref<128xi32, #tpu.memory_space<vmem>>
    %dma_wait3A_216 = arith.constant 0 : i32
    %dma_wait3A_217 = arith.constant 0 : i32
    %dma_wait3A_218 = tpu.memref_slice %arg11[%dma_wait3A_216, %dma_wait3A_217] : memref<10240x128xf32, #tpu.memory_space<vmem_shared>> -> memref<10240x128xf32, #tpu.memory_space<vmem_shared>>
    tpu.wait_indirect_dma semaphore(%arg18 : memref<!tpu.dma_semaphore, #tpu.memory_space<semaphore_mem>>) src(%arg9 : memref<128x128xf32, #tpu.memory_space<vmem>>) dst(%dma_wait3A_218 : memref<10240x128xf32, #tpu.memory_space<vmem_shared>>)
    %add3A_219 = arith.constant 32 : i32
    %add3A_220 = arith.addi %add3A_219, %arg1 : i32
    %dma_wait3A_221 = arith.constant 2 : i32
    %dma_wait3A_222 = arith.constant 0 : i32
    %dma_wait3A_223 = tpu.memref_slice %arg7[%dma_wait3A_221, %dma_wait3A_222] : memref<4x128xi32, #tpu.memory_space<vmem>> -> memref<1x128xi32, #tpu.memory_space<vmem>>
    %dma_wait3A_224 = tpu.memref_squeeze %dma_wait3A_223 : memref<1x128xi32, #tpu.memory_space<vmem>> -> memref<128xi32, #tpu.memory_space<vmem>>
    %dma_wait3A_225 = arith.constant 0 : i32
    %dma_wait3A_226 = tpu.memref_slice %arg3[%arg0, %add3A_220, %dma_wait3A_225] : memref<2x1280x128xi32, #tpu.memory_space<hbm>> -> memref<1x1x128xi32, #tpu.memory_space<hbm>>
    %dma_wait3A_227 = tpu.memref_squeeze %dma_wait3A_226 : memref<1x1x128xi32, #tpu.memory_space<hbm>> -> memref<128xi32, #tpu.memory_space<hbm>>
    %dma_wait3A_228 = arith.constant 0 : i32
    %dma_wait3A_229 = tpu.memref_slice %arg7[%dma_wait3A_221, %dma_wait3A_228] : memref<4x128xi32, #tpu.memory_space<vmem>> -> memref<1x128xi32, #tpu.memory_space<vmem>>
    %dma_wait3A_230 = tpu.memref_squeeze %dma_wait3A_229 : memref<1x128xi32, #tpu.memory_space<vmem>> -> memref<128xi32, #tpu.memory_space<vmem>>
    %dma_wait3A_231 = arith.constant 0 : i32
    %dma_wait3A_232 = tpu.memref_slice %arg3[%arg0, %add3A_220, %dma_wait3A_231] : memref<2x1280x128xi32, #tpu.memory_space<hbm>> -> memref<1x1x128xi32, #tpu.memory_space<hbm>>
    %dma_wait3A_233 = tpu.memref_squeeze %dma_wait3A_232 : memref<1x1x128xi32, #tpu.memory_space<hbm>> -> memref<128xi32, #tpu.memory_space<hbm>>
    tpu.wait_dma2 semaphore(%arg14 : memref<!tpu.dma_semaphore, #tpu.memory_space<semaphore_mem>>) src(%dma_wait3A_233 : memref<128xi32, #tpu.memory_space<hbm>>) dst(%dma_wait3A_230 : memref<128xi32, #tpu.memory_space<vmem>>)
    %dma_wait3A_234 = arith.constant 2 : i32
    %dma_wait3A_235 = arith.constant 0 : i32
    %dma_wait3A_236 = tpu.memref_slice %arg8[%dma_wait3A_234, %dma_wait3A_235] : memref<4x128xi32, #tpu.memory_space<vmem>> -> memref<1x128xi32, #tpu.memory_space<vmem>>
    %dma_wait3A_237 = tpu.memref_squeeze %dma_wait3A_236 : memref<1x128xi32, #tpu.memory_space<vmem>> -> memref<128xi32, #tpu.memory_space<vmem>>
    %dma_wait3A_238 = arith.constant 0 : i32
    %dma_wait3A_239 = tpu.memref_slice %arg4[%add3A_220, %dma_wait3A_238] : memref<1280x128xi32, #tpu.memory_space<hbm>> -> memref<1x128xi32, #tpu.memory_space<hbm>>
    %dma_wait3A_240 = tpu.memref_squeeze %dma_wait3A_239 : memref<1x128xi32, #tpu.memory_space<hbm>> -> memref<128xi32, #tpu.memory_space<hbm>>
    %dma_wait3A_241 = arith.constant 0 : i32
    %dma_wait3A_242 = tpu.memref_slice %arg8[%dma_wait3A_234, %dma_wait3A_241] : memref<4x128xi32, #tpu.memory_space<vmem>> -> memref<1x128xi32, #tpu.memory_space<vmem>>
    %dma_wait3A_243 = tpu.memref_squeeze %dma_wait3A_242 : memref<1x128xi32, #tpu.memory_space<vmem>> -> memref<128xi32, #tpu.memory_space<vmem>>
    %dma_wait3A_244 = arith.constant 0 : i32
    %dma_wait3A_245 = tpu.memref_slice %arg4[%add3A_220, %dma_wait3A_244] : memref<1280x128xi32, #tpu.memory_space<hbm>> -> memref<1x128xi32, #tpu.memory_space<hbm>>
    %dma_wait3A_246 = tpu.memref_squeeze %dma_wait3A_245 : memref<1x128xi32, #tpu.memory_space<hbm>> -> memref<128xi32, #tpu.memory_space<hbm>>
    tpu.wait_dma2 semaphore(%arg14 : memref<!tpu.dma_semaphore, #tpu.memory_space<semaphore_mem>>) src(%dma_wait3A_246 : memref<128xi32, #tpu.memory_space<hbm>>) dst(%dma_wait3A_243 : memref<128xi32, #tpu.memory_space<vmem>>)
    %dma_start3A_247 = arith.constant 2 : i32
    %dma_start3A_248 = arith.constant 0 : i32
    %dma_start3A_249 = tpu.memref_slice %arg7[%dma_start3A_247, %dma_start3A_248] : memref<4x128xi32, #tpu.memory_space<vmem>> -> memref<1x128xi32, #tpu.memory_space<vmem>>
    %dma_start3A_250 = tpu.memref_squeeze %dma_start3A_249 : memref<1x128xi32, #tpu.memory_space<vmem>> -> memref<128xi32, #tpu.memory_space<vmem>>
    %dma_start3A_251 = arith.constant 0 : i32
    %dma_start3A_252 = arith.constant 0 : i32
    %dma_start3A_253 = tpu.memref_slice %arg2[%dma_start3A_251, %dma_start3A_252] : memref<20000x128xf32, #tpu.memory_space<hbm>> -> memref<20000x128xf32, #tpu.memory_space<hbm>>
    tpu.enqueue_indirect_dma source(%dma_start3A_253 : memref<20000x128xf32, #tpu.memory_space<hbm>>) target(%arg9 : memref<128x128xf32, #tpu.memory_space<vmem>>) offsets(%dma_start3A_250 : memref<128xi32, #tpu.memory_space<vmem>>) semaphore(%arg16 : memref<!tpu.dma_semaphore, #tpu.memory_space<semaphore_mem>>)
    %dma_wait3A_254 = arith.constant 1 : i32
    %dma_wait3A_255 = arith.constant 0 : i32
    %dma_wait3A_256 = tpu.memref_slice %arg7[%dma_wait3A_254, %dma_wait3A_255] : memref<4x128xi32, #tpu.memory_space<vmem>> -> memref<1x128xi32, #tpu.memory_space<vmem>>
    %dma_wait3A_257 = tpu.memref_squeeze %dma_wait3A_256 : memref<1x128xi32, #tpu.memory_space<vmem>> -> memref<128xi32, #tpu.memory_space<vmem>>
    %dma_wait3A_258 = arith.constant 0 : i32
    %dma_wait3A_259 = arith.constant 0 : i32
    %dma_wait3A_260 = tpu.memref_slice %arg2[%dma_wait3A_258, %dma_wait3A_259] : memref<20000x128xf32, #tpu.memory_space<hbm>> -> memref<20000x128xf32, #tpu.memory_space<hbm>>
    tpu.wait_indirect_dma semaphore(%arg17 : memref<!tpu.dma_semaphore, #tpu.memory_space<semaphore_mem>>) src(%dma_wait3A_260 : memref<20000x128xf32, #tpu.memory_space<hbm>>) dst(%arg10 : memref<128x128xf32, #tpu.memory_space<vmem>>)
    %dma_start3A_261 = arith.constant 1 : i32
    %dma_start3A_262 = arith.constant 0 : i32
    %dma_start3A_263 = tpu.memref_slice %arg8[%dma_start3A_261, %dma_start3A_262] : memref<4x128xi32, #tpu.memory_space<vmem>> -> memref<1x128xi32, #tpu.memory_space<vmem>>
    %dma_start3A_264 = tpu.memref_squeeze %dma_start3A_263 : memref<1x128xi32, #tpu.memory_space<vmem>> -> memref<128xi32, #tpu.memory_space<vmem>>
    %dma_start3A_265 = arith.constant 0 : i32
    %dma_start3A_266 = arith.constant 0 : i32
    %dma_start3A_267 = tpu.memref_slice %arg11[%dma_start3A_265, %dma_start3A_266] : memref<10240x128xf32, #tpu.memory_space<vmem_shared>> -> memref<10240x128xf32, #tpu.memory_space<vmem_shared>>
    tpu.enqueue_indirect_dma source(%arg10 : memref<128x128xf32, #tpu.memory_space<vmem>>) target(%dma_start3A_267 : memref<10240x128xf32, #tpu.memory_space<vmem_shared>>) offsets(%dma_start3A_264 : memref<128xi32, #tpu.memory_space<vmem>>) semaphore(%arg19 : memref<!tpu.dma_semaphore, #tpu.memory_space<semaphore_mem>>) {add = true}
    %add3A_268 = arith.constant 64 : i32
    %add3A_269 = arith.addi %add3A_268, %arg1 : i32
    %dma_start3A_270 = arith.constant 0 : i32
    %dma_start3A_271 = arith.constant 0 : i32
    %dma_start3A_272 = tpu.memref_slice %arg7[%dma_start3A_270, %dma_start3A_271] : memref<4x128xi32, #tpu.memory_space<vmem>> -> memref<1x128xi32, #tpu.memory_space<vmem>>
    %dma_start3A_273 = tpu.memref_squeeze %dma_start3A_272 : memref<1x128xi32, #tpu.memory_space<vmem>> -> memref<128xi32, #tpu.memory_space<vmem>>
    %dma_start3A_274 = arith.constant 0 : i32
    %dma_start3A_275 = tpu.memref_slice %arg3[%arg0, %add3A_269, %dma_start3A_274] : memref<2x1280x128xi32, #tpu.memory_space<hbm>> -> memref<1x1x128xi32, #tpu.memory_space<hbm>>
    %dma_start3A_276 = tpu.memref_squeeze %dma_start3A_275 : memref<1x1x128xi32, #tpu.memory_space<hbm>> -> memref<128xi32, #tpu.memory_space<hbm>>
    %dma_start3A_277 = arith.constant 0 : i32
    %dma_start3A_278 = tpu.memref_slice %arg7[%dma_start3A_270, %dma_start3A_277] : memref<4x128xi32, #tpu.memory_space<vmem>> -> memref<1x128xi32, #tpu.memory_space<vmem>>
    %dma_start3A_279 = tpu.memref_squeeze %dma_start3A_278 : memref<1x128xi32, #tpu.memory_space<vmem>> -> memref<128xi32, #tpu.memory_space<vmem>>
    %dma_start3A_280 = arith.constant 0 : i32
    %dma_start3A_281 = tpu.memref_slice %arg3[%arg0, %add3A_269, %dma_start3A_280] : memref<2x1280x128xi32, #tpu.memory_space<hbm>> -> memref<1x1x128xi32, #tpu.memory_space<hbm>>
    %dma_start3A_282 = tpu.memref_squeeze %dma_start3A_281 : memref<1x1x128xi32, #tpu.memory_space<hbm>> -> memref<128xi32, #tpu.memory_space<hbm>>
    tpu.enqueue_dma source(%dma_start3A_282 : memref<128xi32, #tpu.memory_space<hbm>>) target(%dma_start3A_279 : memref<128xi32, #tpu.memory_space<vmem>>) target_semaphore(%arg12 : memref<!tpu.dma_semaphore, #tpu.memory_space<semaphore_mem>>)
    %dma_start3A_283 = arith.constant 0 : i32
    %dma_start3A_284 = arith.constant 0 : i32
    %dma_start3A_285 = tpu.memref_slice %arg8[%dma_start3A_283, %dma_start3A_284] : memref<4x128xi32, #tpu.memory_space<vmem>> -> memref<1x128xi32, #tpu.memory_space<vmem>>
    %dma_start3A_286 = tpu.memref_squeeze %dma_start3A_285 : memref<1x128xi32, #tpu.memory_space<vmem>> -> memref<128xi32, #tpu.memory_space<vmem>>
    %dma_start3A_287 = arith.constant 0 : i32
    %dma_start3A_288 = tpu.memref_slice %arg4[%add3A_269, %dma_start3A_287] : memref<1280x128xi32, #tpu.memory_space<hbm>> -> memref<1x128xi32, #tpu.memory_space<hbm>>
    %dma_start3A_289 = tpu.memref_squeeze %dma_start3A_288 : memref<1x128xi32, #tpu.memory_space<hbm>> -> memref<128xi32, #tpu.memory_space<hbm>>
    %dma_start3A_290 = arith.constant 0 : i32
    %dma_start3A_291 = tpu.memref_slice %arg8[%dma_start3A_283, %dma_start3A_290] : memref<4x128xi32, #tpu.memory_space<vmem>> -> memref<1x128xi32, #tpu.memory_space<vmem>>
    %dma_start3A_292 = tpu.memref_squeeze %dma_start3A_291 : memref<1x128xi32, #tpu.memory_space<vmem>> -> memref<128xi32, #tpu.memory_space<vmem>>
    %dma_start3A_293 = arith.constant 0 : i32
    %dma_start3A_294 = tpu.memref_slice %arg4[%add3A_269, %dma_start3A_293] : memref<1280x128xi32, #tpu.memory_space<hbm>> -> memref<1x128xi32, #tpu.memory_space<hbm>>
    %dma_start3A_295 = tpu.memref_squeeze %dma_start3A_294 : memref<1x128xi32, #tpu.memory_space<hbm>> -> memref<128xi32, #tpu.memory_space<hbm>>
    tpu.enqueue_dma source(%dma_start3A_295 : memref<128xi32, #tpu.memory_space<hbm>>) target(%dma_start3A_292 : memref<128xi32, #tpu.memory_space<vmem>>) target_semaphore(%arg12 : memref<!tpu.dma_semaphore, #tpu.memory_space<semaphore_mem>>)
    %scan3A = arith.constant 0 : i32
    %scan3A_296 = arith.constant 18 : i32
    %scan3A_297 = arith.addi %scan3A, %scan3A_296 : i32
    %scan3A_298 = arith.constant 1 : i32
    scf.for %scan3A_700 = %scan3A to %scan3A_297 step %scan3A_298  : i32 {
      %mul3A_701 = arith.constant 1 : i32
      %mul3A_702 = arith.muli %scan3A_700, %mul3A_701 : i32
      %add3A_703 = arith.constant 0 : i32
      %add3A_704 = arith.addi %add3A_703, %mul3A_702 : i32
      %mul3A_705 = arith.constant 4 : i32
      %mul3A_706 = arith.muli %add3A_704, %mul3A_705 : i32
      %add3A_707 = arith.constant 2 : i32
      %add3A_708 = arith.addi %mul3A_706, %add3A_707 : i32
      %dma_wait3A_709 = arith.constant 1 : i32
      %dma_wait3A_710 = arith.constant 0 : i32
      %dma_wait3A_711 = tpu.memref_slice %arg8[%dma_wait3A_709, %dma_wait3A_710] : memref<4x128xi32, #tpu.memory_space<vmem>> -> memref<1x128xi32, #tpu.memory_space<vmem>>
      %dma_wait3A_712 = tpu.memref_squeeze %dma_wait3A_711 : memref<1x128xi32, #tpu.memory_space<vmem>> -> memref<128xi32, #tpu.memory_space<vmem>>
      %dma_wait3A_713 = arith.constant 0 : i32
      %dma_wait3A_714 = arith.constant 0 : i32
      %dma_wait3A_715 = tpu.memref_slice %arg11[%dma_wait3A_713, %dma_wait3A_714] : memref<10240x128xf32, #tpu.memory_space<vmem_shared>> -> memref<10240x128xf32, #tpu.memory_space<vmem_shared>>
      tpu.wait_indirect_dma semaphore(%arg19 : memref<!tpu.dma_semaphore, #tpu.memory_space<semaphore_mem>>) src(%arg10 : memref<128x128xf32, #tpu.memory_space<vmem>>) dst(%dma_wait3A_715 : memref<10240x128xf32, #tpu.memory_space<vmem_shared>>)
      %add3A_716 = arith.constant 1 : i32
      %add3A_717 = arith.addi %add3A_708, %add3A_716 : i32
      %mul3A_718 = arith.constant 16 : i32
      %mul3A_719 = arith.muli %add3A_717, %mul3A_718 : i32
      %add3A_720 = arith.addi %mul3A_719, %arg1 : i32
      %dma_wait3A_721 = arith.constant 3 : i32
      %dma_wait3A_722 = arith.constant 0 : i32
      %dma_wait3A_723 = tpu.memref_slice %arg7[%dma_wait3A_721, %dma_wait3A_722] : memref<4x128xi32, #tpu.memory_space<vmem>> -> memref<1x128xi32, #tpu.memory_space<vmem>>
      %dma_wait3A_724 = tpu.memref_squeeze %dma_wait3A_723 : memref<1x128xi32, #tpu.memory_space<vmem>> -> memref<128xi32, #tpu.memory_space<vmem>>
      %dma_wait3A_725 = arith.constant 0 : i32
      %dma_wait3A_726 = tpu.memref_slice %arg3[%arg0, %add3A_720, %dma_wait3A_725] : memref<2x1280x128xi32, #tpu.memory_space<hbm>> -> memref<1x1x128xi32, #tpu.memory_space<hbm>>
      %dma_wait3A_727 = tpu.memref_squeeze %dma_wait3A_726 : memref<1x1x128xi32, #tpu.memory_space<hbm>> -> memref<128xi32, #tpu.memory_space<hbm>>
      %dma_wait3A_728 = arith.constant 0 : i32
      %dma_wait3A_729 = tpu.memref_slice %arg7[%dma_wait3A_721, %dma_wait3A_728] : memref<4x128xi32, #tpu.memory_space<vmem>> -> memref<1x128xi32, #tpu.memory_space<vmem>>
      %dma_wait3A_730 = tpu.memref_squeeze %dma_wait3A_729 : memref<1x128xi32, #tpu.memory_space<vmem>> -> memref<128xi32, #tpu.memory_space<vmem>>
      %dma_wait3A_731 = arith.constant 0 : i32
      %dma_wait3A_732 = tpu.memref_slice %arg3[%arg0, %add3A_720, %dma_wait3A_731] : memref<2x1280x128xi32, #tpu.memory_space<hbm>> -> memref<1x1x128xi32, #tpu.memory_space<hbm>>
      %dma_wait3A_733 = tpu.memref_squeeze %dma_wait3A_732 : memref<1x1x128xi32, #tpu.memory_space<hbm>> -> memref<128xi32, #tpu.memory_space<hbm>>
      tpu.wait_dma2 semaphore(%arg15 : memref<!tpu.dma_semaphore, #tpu.memory_space<semaphore_mem>>) src(%dma_wait3A_733 : memref<128xi32, #tpu.memory_space<hbm>>) dst(%dma_wait3A_730 : memref<128xi32, #tpu.memory_space<vmem>>)
      %dma_wait3A_734 = arith.constant 3 : i32
      %dma_wait3A_735 = arith.constant 0 : i32
      %dma_wait3A_736 = tpu.memref_slice %arg8[%dma_wait3A_734, %dma_wait3A_735] : memref<4x128xi32, #tpu.memory_space<vmem>> -> memref<1x128xi32, #tpu.memory_space<vmem>>
      %dma_wait3A_737 = tpu.memref_squeeze %dma_wait3A_736 : memref<1x128xi32, #tpu.memory_space<vmem>> -> memref<128xi32, #tpu.memory_space<vmem>>
      %dma_wait3A_738 = arith.constant 0 : i32
      %dma_wait3A_739 = tpu.memref_slice %arg4[%add3A_720, %dma_wait3A_738] : memref<1280x128xi32, #tpu.memory_space<hbm>> -> memref<1x128xi32, #tpu.memory_space<hbm>>
      %dma_wait3A_740 = tpu.memref_squeeze %dma_wait3A_739 : memref<1x128xi32, #tpu.memory_space<hbm>> -> memref<128xi32, #tpu.memory_space<hbm>>
      %dma_wait3A_741 = arith.constant 0 : i32
      %dma_wait3A_742 = tpu.memref_slice %arg8[%dma_wait3A_734, %dma_wait3A_741] : memref<4x128xi32, #tpu.memory_space<vmem>> -> memref<1x128xi32, #tpu.memory_space<vmem>>
      %dma_wait3A_743 = tpu.memref_squeeze %dma_wait3A_742 : memref<1x128xi32, #tpu.memory_space<vmem>> -> memref<128xi32, #tpu.memory_space<vmem>>
      %dma_wait3A_744 = arith.constant 0 : i32
      %dma_wait3A_745 = tpu.memref_slice %arg4[%add3A_720, %dma_wait3A_744] : memref<1280x128xi32, #tpu.memory_space<hbm>> -> memref<1x128xi32, #tpu.memory_space<hbm>>
      %dma_wait3A_746 = tpu.memref_squeeze %dma_wait3A_745 : memref<1x128xi32, #tpu.memory_space<hbm>> -> memref<128xi32, #tpu.memory_space<hbm>>
      tpu.wait_dma2 semaphore(%arg15 : memref<!tpu.dma_semaphore, #tpu.memory_space<semaphore_mem>>) src(%dma_wait3A_746 : memref<128xi32, #tpu.memory_space<hbm>>) dst(%dma_wait3A_743 : memref<128xi32, #tpu.memory_space<vmem>>)
      %dma_start3A_747 = arith.constant 3 : i32
      %dma_start3A_748 = arith.constant 0 : i32
      %dma_start3A_749 = tpu.memref_slice %arg7[%dma_start3A_747, %dma_start3A_748] : memref<4x128xi32, #tpu.memory_space<vmem>> -> memref<1x128xi32, #tpu.memory_space<vmem>>
      %dma_start3A_750 = tpu.memref_squeeze %dma_start3A_749 : memref<1x128xi32, #tpu.memory_space<vmem>> -> memref<128xi32, #tpu.memory_space<vmem>>
      %dma_start3A_751 = arith.constant 0 : i32
      %dma_start3A_752 = arith.constant 0 : i32
      %dma_start3A_753 = tpu.memref_slice %arg2[%dma_start3A_751, %dma_start3A_752] : memref<20000x128xf32, #tpu.memory_space<hbm>> -> memref<20000x128xf32, #tpu.memory_space<hbm>>
      tpu.enqueue_indirect_dma source(%dma_start3A_753 : memref<20000x128xf32, #tpu.memory_space<hbm>>) target(%arg10 : memref<128x128xf32, #tpu.memory_space<vmem>>) offsets(%dma_start3A_750 : memref<128xi32, #tpu.memory_space<vmem>>) semaphore(%arg17 : memref<!tpu.dma_semaphore, #tpu.memory_space<semaphore_mem>>)
      %dma_wait3A_754 = arith.constant 2 : i32
      %dma_wait3A_755 = arith.constant 0 : i32
      %dma_wait3A_756 = tpu.memref_slice %arg7[%dma_wait3A_754, %dma_wait3A_755] : memref<4x128xi32, #tpu.memory_space<vmem>> -> memref<1x128xi32, #tpu.memory_space<vmem>>
      %dma_wait3A_757 = tpu.memref_squeeze %dma_wait3A_756 : memref<1x128xi32, #tpu.memory_space<vmem>> -> memref<128xi32, #tpu.memory_space<vmem>>
      %dma_wait3A_758 = arith.constant 0 : i32
      %dma_wait3A_759 = arith.constant 0 : i32
      %dma_wait3A_760 = tpu.memref_slice %arg2[%dma_wait3A_758, %dma_wait3A_759] : memref<20000x128xf32, #tpu.memory_space<hbm>> -> memref<20000x128xf32, #tpu.memory_space<hbm>>
      tpu.wait_indirect_dma semaphore(%arg16 : memref<!tpu.dma_semaphore, #tpu.memory_space<semaphore_mem>>) src(%dma_wait3A_760 : memref<20000x128xf32, #tpu.memory_space<hbm>>) dst(%arg9 : memref<128x128xf32, #tpu.memory_space<vmem>>)
      %dma_start3A_761 = arith.constant 2 : i32
      %dma_start3A_762 = arith.constant 0 : i32
      %dma_start3A_763 = tpu.memref_slice %arg8[%dma_start3A_761, %dma_start3A_762] : memref<4x128xi32, #tpu.memory_space<vmem>> -> memref<1x128xi32, #tpu.memory_space<vmem>>
      %dma_start3A_764 = tpu.memref_squeeze %dma_start3A_763 : memref<1x128xi32, #tpu.memory_space<vmem>> -> memref<128xi32, #tpu.memory_space<vmem>>
      %dma_start3A_765 = arith.constant 0 : i32
      %dma_start3A_766 = arith.constant 0 : i32
      %dma_start3A_767 = tpu.memref_slice %arg11[%dma_start3A_765, %dma_start3A_766] : memref<10240x128xf32, #tpu.memory_space<vmem_shared>> -> memref<10240x128xf32, #tpu.memory_space<vmem_shared>>
      tpu.enqueue_indirect_dma source(%arg9 : memref<128x128xf32, #tpu.memory_space<vmem>>) target(%dma_start3A_767 : memref<10240x128xf32, #tpu.memory_space<vmem_shared>>) offsets(%dma_start3A_764 : memref<128xi32, #tpu.memory_space<vmem>>) semaphore(%arg18 : memref<!tpu.dma_semaphore, #tpu.memory_space<semaphore_mem>>) {add = true}
      %add3A_768 = arith.constant 3 : i32
      %add3A_769 = arith.addi %add3A_708, %add3A_768 : i32
      %mul3A_770 = arith.constant 16 : i32
      %mul3A_771 = arith.muli %add3A_769, %mul3A_770 : i32
      %add3A_772 = arith.addi %mul3A_771, %arg1 : i32
      %dma_start3A_773 = arith.constant 1 : i32
      %dma_start3A_774 = arith.constant 0 : i32
      %dma_start3A_775 = tpu.memref_slice %arg7[%dma_start3A_773, %dma_start3A_774] : memref<4x128xi32, #tpu.memory_space<vmem>> -> memref<1x128xi32, #tpu.memory_space<vmem>>
      %dma_start3A_776 = tpu.memref_squeeze %dma_start3A_775 : memref<1x128xi32, #tpu.memory_space<vmem>> -> memref<128xi32, #tpu.memory_space<vmem>>
      %dma_start3A_777 = arith.constant 0 : i32
      %dma_start3A_778 = tpu.memref_slice %arg3[%arg0, %add3A_772, %dma_start3A_777] : memref<2x1280x128xi32, #tpu.memory_space<hbm>> -> memref<1x1x128xi32, #tpu.memory_space<hbm>>
      %dma_start3A_779 = tpu.memref_squeeze %dma_start3A_778 : memref<1x1x128xi32, #tpu.memory_space<hbm>> -> memref<128xi32, #tpu.memory_space<hbm>>
      %dma_start3A_780 = arith.constant 0 : i32
      %dma_start3A_781 = tpu.memref_slice %arg7[%dma_start3A_773, %dma_start3A_780] : memref<4x128xi32, #tpu.memory_space<vmem>> -> memref<1x128xi32, #tpu.memory_space<vmem>>
      %dma_start3A_782 = tpu.memref_squeeze %dma_start3A_781 : memref<1x128xi32, #tpu.memory_space<vmem>> -> memref<128xi32, #tpu.memory_space<vmem>>
      %dma_start3A_783 = arith.constant 0 : i32
      %dma_start3A_784 = tpu.memref_slice %arg3[%arg0, %add3A_772, %dma_start3A_783] : memref<2x1280x128xi32, #tpu.memory_space<hbm>> -> memref<1x1x128xi32, #tpu.memory_space<hbm>>
      %dma_start3A_785 = tpu.memref_squeeze %dma_start3A_784 : memref<1x1x128xi32, #tpu.memory_space<hbm>> -> memref<128xi32, #tpu.memory_space<hbm>>
      tpu.enqueue_dma source(%dma_start3A_785 : memref<128xi32, #tpu.memory_space<hbm>>) target(%dma_start3A_782 : memref<128xi32, #tpu.memory_space<vmem>>) target_semaphore(%arg13 : memref<!tpu.dma_semaphore, #tpu.memory_space<semaphore_mem>>)
      %dma_start3A_786 = arith.constant 1 : i32
      %dma_start3A_787 = arith.constant 0 : i32
      %dma_start3A_788 = tpu.memref_slice %arg8[%dma_start3A_786, %dma_start3A_787] : memref<4x128xi32, #tpu.memory_space<vmem>> -> memref<1x128xi32, #tpu.memory_space<vmem>>
      %dma_start3A_789 = tpu.memref_squeeze %dma_start3A_788 : memref<1x128xi32, #tpu.memory_space<vmem>> -> memref<128xi32, #tpu.memory_space<vmem>>
      %dma_start3A_790 = arith.constant 0 : i32
      %dma_start3A_791 = tpu.memref_slice %arg4[%add3A_772, %dma_start3A_790] : memref<1280x128xi32, #tpu.memory_space<hbm>> -> memref<1x128xi32, #tpu.memory_space<hbm>>
      %dma_start3A_792 = tpu.memref_squeeze %dma_start3A_791 : memref<1x128xi32, #tpu.memory_space<hbm>> -> memref<128xi32, #tpu.memory_space<hbm>>
      %dma_start3A_793 = arith.constant 0 : i32
      %dma_start3A_794 = tpu.memref_slice %arg8[%dma_start3A_786, %dma_start3A_793] : memref<4x128xi32, #tpu.memory_space<vmem>> -> memref<1x128xi32, #tpu.memory_space<vmem>>
      %dma_start3A_795 = tpu.memref_squeeze %dma_start3A_794 : memref<1x128xi32, #tpu.memory_space<vmem>> -> memref<128xi32, #tpu.memory_space<vmem>>
      %dma_start3A_796 = arith.constant 0 : i32
      %dma_start3A_797 = tpu.memref_slice %arg4[%add3A_772, %dma_start3A_796] : memref<1280x128xi32, #tpu.memory_space<hbm>> -> memref<1x128xi32, #tpu.memory_space<hbm>>
      %dma_start3A_798 = tpu.memref_squeeze %dma_start3A_797 : memref<1x128xi32, #tpu.memory_space<hbm>> -> memref<128xi32, #tpu.memory_space<hbm>>
      tpu.enqueue_dma source(%dma_start3A_798 : memref<128xi32, #tpu.memory_space<hbm>>) target(%dma_start3A_795 : memref<128xi32, #tpu.memory_space<vmem>>) target_semaphore(%arg13 : memref<!tpu.dma_semaphore, #tpu.memory_space<semaphore_mem>>)
      %mul3A_799 = arith.constant 4 : i32
      %mul3A_800 = arith.muli %add3A_704, %mul3A_799 : i32
      %add3A_801 = arith.constant 3 : i32
      %add3A_802 = arith.addi %mul3A_800, %add3A_801 : i32
      %dma_wait3A_803 = arith.constant 2 : i32
      %dma_wait3A_804 = arith.constant 0 : i32
      %dma_wait3A_805 = tpu.memref_slice %arg8[%dma_wait3A_803, %dma_wait3A_804] : memref<4x128xi32, #tpu.memory_space<vmem>> -> memref<1x128xi32, #tpu.memory_space<vmem>>
      %dma_wait3A_806 = tpu.memref_squeeze %dma_wait3A_805 : memref<1x128xi32, #tpu.memory_space<vmem>> -> memref<128xi32, #tpu.memory_space<vmem>>
      %dma_wait3A_807 = arith.constant 0 : i32
      %dma_wait3A_808 = arith.constant 0 : i32
      %dma_wait3A_809 = tpu.memref_slice %arg11[%dma_wait3A_807, %dma_wait3A_808] : memref<10240x128xf32, #tpu.memory_space<vmem_shared>> -> memref<10240x128xf32, #tpu.memory_space<vmem_shared>>
      tpu.wait_indirect_dma semaphore(%arg18 : memref<!tpu.dma_semaphore, #tpu.memory_space<semaphore_mem>>) src(%arg9 : memref<128x128xf32, #tpu.memory_space<vmem>>) dst(%dma_wait3A_809 : memref<10240x128xf32, #tpu.memory_space<vmem_shared>>)
      %add3A_810 = arith.constant 1 : i32
      %add3A_811 = arith.addi %add3A_802, %add3A_810 : i32
      %mul3A_812 = arith.constant 16 : i32
      %mul3A_813 = arith.muli %add3A_811, %mul3A_812 : i32
      %add3A_814 = arith.addi %mul3A_813, %arg1 : i32
      %dma_wait3A_815 = arith.constant 0 : i32
      %dma_wait3A_816 = arith.constant 0 : i32
      %dma_wait3A_817 = tpu.memref_slice %arg7[%dma_wait3A_815, %dma_wait3A_816] : memref<4x128xi32, #tpu.memory_space<vmem>> -> memref<1x128xi32, #tpu.memory_space<vmem>>
      %dma_wait3A_818 = tpu.memref_squeeze %dma_wait3A_817 : memref<1x128xi32, #tpu.memory_space<vmem>> -> memref<128xi32, #tpu.memory_space<vmem>>
      %dma_wait3A_819 = arith.constant 0 : i32
      %dma_wait3A_820 = tpu.memref_slice %arg3[%arg0, %add3A_814, %dma_wait3A_819] : memref<2x1280x128xi32, #tpu.memory_space<hbm>> -> memref<1x1x128xi32, #tpu.memory_space<hbm>>
      %dma_wait3A_821 = tpu.memref_squeeze %dma_wait3A_820 : memref<1x1x128xi32, #tpu.memory_space<hbm>> -> memref<128xi32, #tpu.memory_space<hbm>>
      %dma_wait3A_822 = arith.constant 0 : i32
      %dma_wait3A_823 = tpu.memref_slice %arg7[%dma_wait3A_815, %dma_wait3A_822] : memref<4x128xi32, #tpu.memory_space<vmem>> -> memref<1x128xi32, #tpu.memory_space<vmem>>
      %dma_wait3A_824 = tpu.memref_squeeze %dma_wait3A_823 : memref<1x128xi32, #tpu.memory_space<vmem>> -> memref<128xi32, #tpu.memory_space<vmem>>
      %dma_wait3A_825 = arith.constant 0 : i32
      %dma_wait3A_826 = tpu.memref_slice %arg3[%arg0, %add3A_814, %dma_wait3A_825] : memref<2x1280x128xi32, #tpu.memory_space<hbm>> -> memref<1x1x128xi32, #tpu.memory_space<hbm>>
      %dma_wait3A_827 = tpu.memref_squeeze %dma_wait3A_826 : memref<1x1x128xi32, #tpu.memory_space<hbm>> -> memref<128xi32, #tpu.memory_space<hbm>>
      tpu.wait_dma2 semaphore(%arg12 : memref<!tpu.dma_semaphore, #tpu.memory_space<semaphore_mem>>) src(%dma_wait3A_827 : memref<128xi32, #tpu.memory_space<hbm>>) dst(%dma_wait3A_824 : memref<128xi32, #tpu.memory_space<vmem>>)
      %dma_wait3A_828 = arith.constant 0 : i32
      %dma_wait3A_829 = arith.constant 0 : i32
      %dma_wait3A_830 = tpu.memref_slice %arg8[%dma_wait3A_828, %dma_wait3A_829] : memref<4x128xi32, #tpu.memory_space<vmem>> -> memref<1x128xi32, #tpu.memory_space<vmem>>
      %dma_wait3A_831 = tpu.memref_squeeze %dma_wait3A_830 : memref<1x128xi32, #tpu.memory_space<vmem>> -> memref<128xi32, #tpu.memory_space<vmem>>
      %dma_wait3A_832 = arith.constant 0 : i32
      %dma_wait3A_833 = tpu.memref_slice %arg4[%add3A_814, %dma_wait3A_832] : memref<1280x128xi32, #tpu.memory_space<hbm>> -> memref<1x128xi32, #tpu.memory_space<hbm>>
      %dma_wait3A_834 = tpu.memref_squeeze %dma_wait3A_833 : memref<1x128xi32, #tpu.memory_space<hbm>> -> memref<128xi32, #tpu.memory_space<hbm>>
      %dma_wait3A_835 = arith.constant 0 : i32
      %dma_wait3A_836 = tpu.memref_slice %arg8[%dma_wait3A_828, %dma_wait3A_835] : memref<4x128xi32, #tpu.memory_space<vmem>> -> memref<1x128xi32, #tpu.memory_space<vmem>>
      %dma_wait3A_837 = tpu.memref_squeeze %dma_wait3A_836 : memref<1x128xi32, #tpu.memory_space<vmem>> -> memref<128xi32, #tpu.memory_space<vmem>>
      %dma_wait3A_838 = arith.constant 0 : i32
      %dma_wait3A_839 = tpu.memref_slice %arg4[%add3A_814, %dma_wait3A_838] : memref<1280x128xi32, #tpu.memory_space<hbm>> -> memref<1x128xi32, #tpu.memory_space<hbm>>
      %dma_wait3A_840 = tpu.memref_squeeze %dma_wait3A_839 : memref<1x128xi32, #tpu.memory_space<hbm>> -> memref<128xi32, #tpu.memory_space<hbm>>
      tpu.wait_dma2 semaphore(%arg12 : memref<!tpu.dma_semaphore, #tpu.memory_space<semaphore_mem>>) src(%dma_wait3A_840 : memref<128xi32, #tpu.memory_space<hbm>>) dst(%dma_wait3A_837 : memref<128xi32, #tpu.memory_space<vmem>>)
      %dma_start3A_841 = arith.constant 0 : i32
      %dma_start3A_842 = arith.constant 0 : i32
      %dma_start3A_843 = tpu.memref_slice %arg7[%dma_start3A_841, %dma_start3A_842] : memref<4x128xi32, #tpu.memory_space<vmem>> -> memref<1x128xi32, #tpu.memory_space<vmem>>
      %dma_start3A_844 = tpu.memref_squeeze %dma_start3A_843 : memref<1x128xi32, #tpu.memory_space<vmem>> -> memref<128xi32, #tpu.memory_space<vmem>>
      %dma_start3A_845 = arith.constant 0 : i32
      %dma_start3A_846 = arith.constant 0 : i32
      %dma_start3A_847 = tpu.memref_slice %arg2[%dma_start3A_845, %dma_start3A_846] : memref<20000x128xf32, #tpu.memory_space<hbm>> -> memref<20000x128xf32, #tpu.memory_space<hbm>>
      tpu.enqueue_indirect_dma source(%dma_start3A_847 : memref<20000x128xf32, #tpu.memory_space<hbm>>) target(%arg9 : memref<128x128xf32, #tpu.memory_space<vmem>>) offsets(%dma_start3A_844 : memref<128xi32, #tpu.memory_space<vmem>>) semaphore(%arg16 : memref<!tpu.dma_semaphore, #tpu.memory_space<semaphore_mem>>)
      %dma_wait3A_848 = arith.constant 3 : i32
      %dma_wait3A_849 = arith.constant 0 : i32
      %dma_wait3A_850 = tpu.memref_slice %arg7[%dma_wait3A_848, %dma_wait3A_849] : memref<4x128xi32, #tpu.memory_space<vmem>> -> memref<1x128xi32, #tpu.memory_space<vmem>>
      %dma_wait3A_851 = tpu.memref_squeeze %dma_wait3A_850 : memref<1x128xi32, #tpu.memory_space<vmem>> -> memref<128xi32, #tpu.memory_space<vmem>>
      %dma_wait3A_852 = arith.constant 0 : i32
      %dma_wait3A_853 = arith.constant 0 : i32
      %dma_wait3A_854 = tpu.memref_slice %arg2[%dma_wait3A_852, %dma_wait3A_853] : memref<20000x128xf32, #tpu.memory_space<hbm>> -> memref<20000x128xf32, #tpu.memory_space<hbm>>
      tpu.wait_indirect_dma semaphore(%arg17 : memref<!tpu.dma_semaphore, #tpu.memory_space<semaphore_mem>>) src(%dma_wait3A_854 : memref<20000x128xf32, #tpu.memory_space<hbm>>) dst(%arg10 : memref<128x128xf32, #tpu.memory_space<vmem>>)
      %dma_start3A_855 = arith.constant 3 : i32
      %dma_start3A_856 = arith.constant 0 : i32
      %dma_start3A_857 = tpu.memref_slice %arg8[%dma_start3A_855, %dma_start3A_856] : memref<4x128xi32, #tpu.memory_space<vmem>> -> memref<1x128xi32, #tpu.memory_space<vmem>>
      %dma_start3A_858 = tpu.memref_squeeze %dma_start3A_857 : memref<1x128xi32, #tpu.memory_space<vmem>> -> memref<128xi32, #tpu.memory_space<vmem>>
      %dma_start3A_859 = arith.constant 0 : i32
      %dma_start3A_860 = arith.constant 0 : i32
      %dma_start3A_861 = tpu.memref_slice %arg11[%dma_start3A_859, %dma_start3A_860] : memref<10240x128xf32, #tpu.memory_space<vmem_shared>> -> memref<10240x128xf32, #tpu.memory_space<vmem_shared>>
      tpu.enqueue_indirect_dma source(%arg10 : memref<128x128xf32, #tpu.memory_space<vmem>>) target(%dma_start3A_861 : memref<10240x128xf32, #tpu.memory_space<vmem_shared>>) offsets(%dma_start3A_858 : memref<128xi32, #tpu.memory_space<vmem>>) semaphore(%arg19 : memref<!tpu.dma_semaphore, #tpu.memory_space<semaphore_mem>>) {add = true}
      %add3A_862 = arith.constant 3 : i32
      %add3A_863 = arith.addi %add3A_802, %add3A_862 : i32
      %mul3A_864 = arith.constant 16 : i32
      %mul3A_865 = arith.muli %add3A_863, %mul3A_864 : i32
      %add3A_866 = arith.addi %mul3A_865, %arg1 : i32
      %dma_start3A_867 = arith.constant 2 : i32
      %dma_start3A_868 = arith.constant 0 : i32
      %dma_start3A_869 = tpu.memref_slice %arg7[%dma_start3A_867, %dma_start3A_868] : memref<4x128xi32, #tpu.memory_space<vmem>> -> memref<1x128xi32, #tpu.memory_space<vmem>>
      %dma_start3A_870 = tpu.memref_squeeze %dma_start3A_869 : memref<1x128xi32, #tpu.memory_space<vmem>> -> memref<128xi32, #tpu.memory_space<vmem>>
      %dma_start3A_871 = arith.constant 0 : i32
      %dma_start3A_872 = tpu.memref_slice %arg3[%arg0, %add3A_866, %dma_start3A_871] : memref<2x1280x128xi32, #tpu.memory_space<hbm>> -> memref<1x1x128xi32, #tpu.memory_space<hbm>>
      %dma_start3A_873 = tpu.memref_squeeze %dma_start3A_872 : memref<1x1x128xi32, #tpu.memory_space<hbm>> -> memref<128xi32, #tpu.memory_space<hbm>>
      %dma_start3A_874 = arith.constant 0 : i32
      %dma_start3A_875 = tpu.memref_slice %arg7[%dma_start3A_867, %dma_start3A_874] : memref<4x128xi32, #tpu.memory_space<vmem>> -> memref<1x128xi32, #tpu.memory_space<vmem>>
      %dma_start3A_876 = tpu.memref_squeeze %dma_start3A_875 : memref<1x128xi32, #tpu.memory_space<vmem>> -> memref<128xi32, #tpu.memory_space<vmem>>
      %dma_start3A_877 = arith.constant 0 : i32
      %dma_start3A_878 = tpu.memref_slice %arg3[%arg0, %add3A_866, %dma_start3A_877] : memref<2x1280x128xi32, #tpu.memory_space<hbm>> -> memref<1x1x128xi32, #tpu.memory_space<hbm>>
      %dma_start3A_879 = tpu.memref_squeeze %dma_start3A_878 : memref<1x1x128xi32, #tpu.memory_space<hbm>> -> memref<128xi32, #tpu.memory_space<hbm>>
      tpu.enqueue_dma source(%dma_start3A_879 : memref<128xi32, #tpu.memory_space<hbm>>) target(%dma_start3A_876 : memref<128xi32, #tpu.memory_space<vmem>>) target_semaphore(%arg14 : memref<!tpu.dma_semaphore, #tpu.memory_space<semaphore_mem>>)
      %dma_start3A_880 = arith.constant 2 : i32
      %dma_start3A_881 = arith.constant 0 : i32
      %dma_start3A_882 = tpu.memref_slice %arg8[%dma_start3A_880, %dma_start3A_881] : memref<4x128xi32, #tpu.memory_space<vmem>> -> memref<1x128xi32, #tpu.memory_space<vmem>>
      %dma_start3A_883 = tpu.memref_squeeze %dma_start3A_882 : memref<1x128xi32, #tpu.memory_space<vmem>> -> memref<128xi32, #tpu.memory_space<vmem>>
      %dma_start3A_884 = arith.constant 0 : i32
      %dma_start3A_885 = tpu.memref_slice %arg4[%add3A_866, %dma_start3A_884] : memref<1280x128xi32, #tpu.memory_space<hbm>> -> memref<1x128xi32, #tpu.memory_space<hbm>>
      %dma_start3A_886 = tpu.memref_squeeze %dma_start3A_885 : memref<1x128xi32, #tpu.memory_space<hbm>> -> memref<128xi32, #tpu.memory_space<hbm>>
      %dma_start3A_887 = arith.constant 0 : i32
      %dma_start3A_888 = tpu.memref_slice %arg8[%dma_start3A_880, %dma_start3A_887] : memref<4x128xi32, #tpu.memory_space<vmem>> -> memref<1x128xi32, #tpu.memory_space<vmem>>
      %dma_start3A_889 = tpu.memref_squeeze %dma_start3A_888 : memref<1x128xi32, #tpu.memory_space<vmem>> -> memref<128xi32, #tpu.memory_space<vmem>>
      %dma_start3A_890 = arith.constant 0 : i32
      %dma_start3A_891 = tpu.memref_slice %arg4[%add3A_866, %dma_start3A_890] : memref<1280x128xi32, #tpu.memory_space<hbm>> -> memref<1x128xi32, #tpu.memory_space<hbm>>
      %dma_start3A_892 = tpu.memref_squeeze %dma_start3A_891 : memref<1x128xi32, #tpu.memory_space<hbm>> -> memref<128xi32, #tpu.memory_space<hbm>>
      tpu.enqueue_dma source(%dma_start3A_892 : memref<128xi32, #tpu.memory_space<hbm>>) target(%dma_start3A_889 : memref<128xi32, #tpu.memory_space<vmem>>) target_semaphore(%arg14 : memref<!tpu.dma_semaphore, #tpu.memory_space<semaphore_mem>>)
      %mul3A_893 = arith.constant 4 : i32
      %mul3A_894 = arith.muli %add3A_704, %mul3A_893 : i32
      %add3A_895 = arith.constant 4 : i32
      %add3A_896 = arith.addi %mul3A_894, %add3A_895 : i32
      %dma_wait3A_897 = arith.constant 3 : i32
      %dma_wait3A_898 = arith.constant 0 : i32
      %dma_wait3A_899 = tpu.memref_slice %arg8[%dma_wait3A_897, %dma_wait3A_898] : memref<4x128xi32, #tpu.memory_space<vmem>> -> memref<1x128xi32, #tpu.memory_space<vmem>>
      %dma_wait3A_900 = tpu.memref_squeeze %dma_wait3A_899 : memref<1x128xi32, #tpu.memory_space<vmem>> -> memref<128xi32, #tpu.memory_space<vmem>>
      %dma_wait3A_901 = arith.constant 0 : i32
      %dma_wait3A_902 = arith.constant 0 : i32
      %dma_wait3A_903 = tpu.memref_slice %arg11[%dma_wait3A_901, %dma_wait3A_902] : memref<10240x128xf32, #tpu.memory_space<vmem_shared>> -> memref<10240x128xf32, #tpu.memory_space<vmem_shared>>
      tpu.wait_indirect_dma semaphore(%arg19 : memref<!tpu.dma_semaphore, #tpu.memory_space<semaphore_mem>>) src(%arg10 : memref<128x128xf32, #tpu.memory_space<vmem>>) dst(%dma_wait3A_903 : memref<10240x128xf32, #tpu.memory_space<vmem_shared>>)
      %add3A_904 = arith.constant 1 : i32
      %add3A_905 = arith.addi %add3A_896, %add3A_904 : i32
      %mul3A_906 = arith.constant 16 : i32
      %mul3A_907 = arith.muli %add3A_905, %mul3A_906 : i32
      %add3A_908 = arith.addi %mul3A_907, %arg1 : i32
      %dma_wait3A_909 = arith.constant 1 : i32
      %dma_wait3A_910 = arith.constant 0 : i32
      %dma_wait3A_911 = tpu.memref_slice %arg7[%dma_wait3A_909, %dma_wait3A_910] : memref<4x128xi32, #tpu.memory_space<vmem>> -> memref<1x128xi32, #tpu.memory_space<vmem>>
      %dma_wait3A_912 = tpu.memref_squeeze %dma_wait3A_911 : memref<1x128xi32, #tpu.memory_space<vmem>> -> memref<128xi32, #tpu.memory_space<vmem>>
      %dma_wait3A_913 = arith.constant 0 : i32
      %dma_wait3A_914 = tpu.memref_slice %arg3[%arg0, %add3A_908, %dma_wait3A_913] : memref<2x1280x128xi32, #tpu.memory_space<hbm>> -> memref<1x1x128xi32, #tpu.memory_space<hbm>>
      %dma_wait3A_915 = tpu.memref_squeeze %dma_wait3A_914 : memref<1x1x128xi32, #tpu.memory_space<hbm>> -> memref<128xi32, #tpu.memory_space<hbm>>
      %dma_wait3A_916 = arith.constant 0 : i32
      %dma_wait3A_917 = tpu.memref_slice %arg7[%dma_wait3A_909, %dma_wait3A_916] : memref<4x128xi32, #tpu.memory_space<vmem>> -> memref<1x128xi32, #tpu.memory_space<vmem>>
      %dma_wait3A_918 = tpu.memref_squeeze %dma_wait3A_917 : memref<1x128xi32, #tpu.memory_space<vmem>> -> memref<128xi32, #tpu.memory_space<vmem>>
      %dma_wait3A_919 = arith.constant 0 : i32
      %dma_wait3A_920 = tpu.memref_slice %arg3[%arg0, %add3A_908, %dma_wait3A_919] : memref<2x1280x128xi32, #tpu.memory_space<hbm>> -> memref<1x1x128xi32, #tpu.memory_space<hbm>>
      %dma_wait3A_921 = tpu.memref_squeeze %dma_wait3A_920 : memref<1x1x128xi32, #tpu.memory_space<hbm>> -> memref<128xi32, #tpu.memory_space<hbm>>
      tpu.wait_dma2 semaphore(%arg13 : memref<!tpu.dma_semaphore, #tpu.memory_space<semaphore_mem>>) src(%dma_wait3A_921 : memref<128xi32, #tpu.memory_space<hbm>>) dst(%dma_wait3A_918 : memref<128xi32, #tpu.memory_space<vmem>>)
      %dma_wait3A_922 = arith.constant 1 : i32
      %dma_wait3A_923 = arith.constant 0 : i32
      %dma_wait3A_924 = tpu.memref_slice %arg8[%dma_wait3A_922, %dma_wait3A_923] : memref<4x128xi32, #tpu.memory_space<vmem>> -> memref<1x128xi32, #tpu.memory_space<vmem>>
      %dma_wait3A_925 = tpu.memref_squeeze %dma_wait3A_924 : memref<1x128xi32, #tpu.memory_space<vmem>> -> memref<128xi32, #tpu.memory_space<vmem>>
      %dma_wait3A_926 = arith.constant 0 : i32
      %dma_wait3A_927 = tpu.memref_slice %arg4[%add3A_908, %dma_wait3A_926] : memref<1280x128xi32, #tpu.memory_space<hbm>> -> memref<1x128xi32, #tpu.memory_space<hbm>>
      %dma_wait3A_928 = tpu.memref_squeeze %dma_wait3A_927 : memref<1x128xi32, #tpu.memory_space<hbm>> -> memref<128xi32, #tpu.memory_space<hbm>>
      %dma_wait3A_929 = arith.constant 0 : i32
      %dma_wait3A_930 = tpu.memref_slice %arg8[%dma_wait3A_922, %dma_wait3A_929] : memref<4x128xi32, #tpu.memory_space<vmem>> -> memref<1x128xi32, #tpu.memory_space<vmem>>
      %dma_wait3A_931 = tpu.memref_squeeze %dma_wait3A_930 : memref<1x128xi32, #tpu.memory_space<vmem>> -> memref<128xi32, #tpu.memory_space<vmem>>
      %dma_wait3A_932 = arith.constant 0 : i32
      %dma_wait3A_933 = tpu.memref_slice %arg4[%add3A_908, %dma_wait3A_932] : memref<1280x128xi32, #tpu.memory_space<hbm>> -> memref<1x128xi32, #tpu.memory_space<hbm>>
      %dma_wait3A_934 = tpu.memref_squeeze %dma_wait3A_933 : memref<1x128xi32, #tpu.memory_space<hbm>> -> memref<128xi32, #tpu.memory_space<hbm>>
      tpu.wait_dma2 semaphore(%arg13 : memref<!tpu.dma_semaphore, #tpu.memory_space<semaphore_mem>>) src(%dma_wait3A_934 : memref<128xi32, #tpu.memory_space<hbm>>) dst(%dma_wait3A_931 : memref<128xi32, #tpu.memory_space<vmem>>)
      %dma_start3A_935 = arith.constant 1 : i32
      %dma_start3A_936 = arith.constant 0 : i32
      %dma_start3A_937 = tpu.memref_slice %arg7[%dma_start3A_935, %dma_start3A_936] : memref<4x128xi32, #tpu.memory_space<vmem>> -> memref<1x128xi32, #tpu.memory_space<vmem>>
      %dma_start3A_938 = tpu.memref_squeeze %dma_start3A_937 : memref<1x128xi32, #tpu.memory_space<vmem>> -> memref<128xi32, #tpu.memory_space<vmem>>
      %dma_start3A_939 = arith.constant 0 : i32
      %dma_start3A_940 = arith.constant 0 : i32
      %dma_start3A_941 = tpu.memref_slice %arg2[%dma_start3A_939, %dma_start3A_940] : memref<20000x128xf32, #tpu.memory_space<hbm>> -> memref<20000x128xf32, #tpu.memory_space<hbm>>
      tpu.enqueue_indirect_dma source(%dma_start3A_941 : memref<20000x128xf32, #tpu.memory_space<hbm>>) target(%arg10 : memref<128x128xf32, #tpu.memory_space<vmem>>) offsets(%dma_start3A_938 : memref<128xi32, #tpu.memory_space<vmem>>) semaphore(%arg17 : memref<!tpu.dma_semaphore, #tpu.memory_space<semaphore_mem>>)
      %dma_wait3A_942 = arith.constant 0 : i32
      %dma_wait3A_943 = arith.constant 0 : i32
      %dma_wait3A_944 = tpu.memref_slice %arg7[%dma_wait3A_942, %dma_wait3A_943] : memref<4x128xi32, #tpu.memory_space<vmem>> -> memref<1x128xi32, #tpu.memory_space<vmem>>
      %dma_wait3A_945 = tpu.memref_squeeze %dma_wait3A_944 : memref<1x128xi32, #tpu.memory_space<vmem>> -> memref<128xi32, #tpu.memory_space<vmem>>
      %dma_wait3A_946 = arith.constant 0 : i32
      %dma_wait3A_947 = arith.constant 0 : i32
      %dma_wait3A_948 = tpu.memref_slice %arg2[%dma_wait3A_946, %dma_wait3A_947] : memref<20000x128xf32, #tpu.memory_space<hbm>> -> memref<20000x128xf32, #tpu.memory_space<hbm>>
      tpu.wait_indirect_dma semaphore(%arg16 : memref<!tpu.dma_semaphore, #tpu.memory_space<semaphore_mem>>) src(%dma_wait3A_948 : memref<20000x128xf32, #tpu.memory_space<hbm>>) dst(%arg9 : memref<128x128xf32, #tpu.memory_space<vmem>>)
      %dma_start3A_949 = arith.constant 0 : i32
      %dma_start3A_950 = arith.constant 0 : i32
      %dma_start3A_951 = tpu.memref_slice %arg8[%dma_start3A_949, %dma_start3A_950] : memref<4x128xi32, #tpu.memory_space<vmem>> -> memref<1x128xi32, #tpu.memory_space<vmem>>
      %dma_start3A_952 = tpu.memref_squeeze %dma_start3A_951 : memref<1x128xi32, #tpu.memory_space<vmem>> -> memref<128xi32, #tpu.memory_space<vmem>>
      %dma_start3A_953 = arith.constant 0 : i32
      %dma_start3A_954 = arith.constant 0 : i32
      %dma_start3A_955 = tpu.memref_slice %arg11[%dma_start3A_953, %dma_start3A_954] : memref<10240x128xf32, #tpu.memory_space<vmem_shared>> -> memref<10240x128xf32, #tpu.memory_space<vmem_shared>>
      tpu.enqueue_indirect_dma source(%arg9 : memref<128x128xf32, #tpu.memory_space<vmem>>) target(%dma_start3A_955 : memref<10240x128xf32, #tpu.memory_space<vmem_shared>>) offsets(%dma_start3A_952 : memref<128xi32, #tpu.memory_space<vmem>>) semaphore(%arg18 : memref<!tpu.dma_semaphore, #tpu.memory_space<semaphore_mem>>) {add = true}
      %add3A_956 = arith.constant 3 : i32
      %add3A_957 = arith.addi %add3A_896, %add3A_956 : i32
      %mul3A_958 = arith.constant 16 : i32
      %mul3A_959 = arith.muli %add3A_957, %mul3A_958 : i32
      %add3A_960 = arith.addi %mul3A_959, %arg1 : i32
      %dma_start3A_961 = arith.constant 3 : i32
      %dma_start3A_962 = arith.constant 0 : i32
      %dma_start3A_963 = tpu.memref_slice %arg7[%dma_start3A_961, %dma_start3A_962] : memref<4x128xi32, #tpu.memory_space<vmem>> -> memref<1x128xi32, #tpu.memory_space<vmem>>
      %dma_start3A_964 = tpu.memref_squeeze %dma_start3A_963 : memref<1x128xi32, #tpu.memory_space<vmem>> -> memref<128xi32, #tpu.memory_space<vmem>>
      %dma_start3A_965 = arith.constant 0 : i32
      %dma_start3A_966 = tpu.memref_slice %arg3[%arg0, %add3A_960, %dma_start3A_965] : memref<2x1280x128xi32, #tpu.memory_space<hbm>> -> memref<1x1x128xi32, #tpu.memory_space<hbm>>
      %dma_start3A_967 = tpu.memref_squeeze %dma_start3A_966 : memref<1x1x128xi32, #tpu.memory_space<hbm>> -> memref<128xi32, #tpu.memory_space<hbm>>
      %dma_start3A_968 = arith.constant 0 : i32
      %dma_start3A_969 = tpu.memref_slice %arg7[%dma_start3A_961, %dma_start3A_968] : memref<4x128xi32, #tpu.memory_space<vmem>> -> memref<1x128xi32, #tpu.memory_space<vmem>>
      %dma_start3A_970 = tpu.memref_squeeze %dma_start3A_969 : memref<1x128xi32, #tpu.memory_space<vmem>> -> memref<128xi32, #tpu.memory_space<vmem>>
      %dma_start3A_971 = arith.constant 0 : i32
      %dma_start3A_972 = tpu.memref_slice %arg3[%arg0, %add3A_960, %dma_start3A_971] : memref<2x1280x128xi32, #tpu.memory_space<hbm>> -> memref<1x1x128xi32, #tpu.memory_space<hbm>>
      %dma_start3A_973 = tpu.memref_squeeze %dma_start3A_972 : memref<1x1x128xi32, #tpu.memory_space<hbm>> -> memref<128xi32, #tpu.memory_space<hbm>>
      tpu.enqueue_dma source(%dma_start3A_973 : memref<128xi32, #tpu.memory_space<hbm>>) target(%dma_start3A_970 : memref<128xi32, #tpu.memory_space<vmem>>) target_semaphore(%arg15 : memref<!tpu.dma_semaphore, #tpu.memory_space<semaphore_mem>>)
      %dma_start3A_974 = arith.constant 3 : i32
      %dma_start3A_975 = arith.constant 0 : i32
      %dma_start3A_976 = tpu.memref_slice %arg8[%dma_start3A_974, %dma_start3A_975] : memref<4x128xi32, #tpu.memory_space<vmem>> -> memref<1x128xi32, #tpu.memory_space<vmem>>
      %dma_start3A_977 = tpu.memref_squeeze %dma_start3A_976 : memref<1x128xi32, #tpu.memory_space<vmem>> -> memref<128xi32, #tpu.memory_space<vmem>>
      %dma_start3A_978 = arith.constant 0 : i32
      %dma_start3A_979 = tpu.memref_slice %arg4[%add3A_960, %dma_start3A_978] : memref<1280x128xi32, #tpu.memory_space<hbm>> -> memref<1x128xi32, #tpu.memory_space<hbm>>
      %dma_start3A_980 = tpu.memref_squeeze %dma_start3A_979 : memref<1x128xi32, #tpu.memory_space<hbm>> -> memref<128xi32, #tpu.memory_space<hbm>>
      %dma_start3A_981 = arith.constant 0 : i32
      %dma_start3A_982 = tpu.memref_slice %arg8[%dma_start3A_974, %dma_start3A_981] : memref<4x128xi32, #tpu.memory_space<vmem>> -> memref<1x128xi32, #tpu.memory_space<vmem>>
      %dma_start3A_983 = tpu.memref_squeeze %dma_start3A_982 : memref<1x128xi32, #tpu.memory_space<vmem>> -> memref<128xi32, #tpu.memory_space<vmem>>
      %dma_start3A_984 = arith.constant 0 : i32
      %dma_start3A_985 = tpu.memref_slice %arg4[%add3A_960, %dma_start3A_984] : memref<1280x128xi32, #tpu.memory_space<hbm>> -> memref<1x128xi32, #tpu.memory_space<hbm>>
      %dma_start3A_986 = tpu.memref_squeeze %dma_start3A_985 : memref<1x128xi32, #tpu.memory_space<hbm>> -> memref<128xi32, #tpu.memory_space<hbm>>
      tpu.enqueue_dma source(%dma_start3A_986 : memref<128xi32, #tpu.memory_space<hbm>>) target(%dma_start3A_983 : memref<128xi32, #tpu.memory_space<vmem>>) target_semaphore(%arg15 : memref<!tpu.dma_semaphore, #tpu.memory_space<semaphore_mem>>)
      %mul3A_987 = arith.constant 4 : i32
      %mul3A_988 = arith.muli %add3A_704, %mul3A_987 : i32
      %add3A_989 = arith.constant 5 : i32
      %add3A_990 = arith.addi %mul3A_988, %add3A_989 : i32
      %dma_wait3A_991 = arith.constant 0 : i32
      %dma_wait3A_992 = arith.constant 0 : i32
      %dma_wait3A_993 = tpu.memref_slice %arg8[%dma_wait3A_991, %dma_wait3A_992] : memref<4x128xi32, #tpu.memory_space<vmem>> -> memref<1x128xi32, #tpu.memory_space<vmem>>
      %dma_wait3A_994 = tpu.memref_squeeze %dma_wait3A_993 : memref<1x128xi32, #tpu.memory_space<vmem>> -> memref<128xi32, #tpu.memory_space<vmem>>
      %dma_wait3A_995 = arith.constant 0 : i32
      %dma_wait3A_996 = arith.constant 0 : i32
      %dma_wait3A_997 = tpu.memref_slice %arg11[%dma_wait3A_995, %dma_wait3A_996] : memref<10240x128xf32, #tpu.memory_space<vmem_shared>> -> memref<10240x128xf32, #tpu.memory_space<vmem_shared>>
      tpu.wait_indirect_dma semaphore(%arg18 : memref<!tpu.dma_semaphore, #tpu.memory_space<semaphore_mem>>) src(%arg9 : memref<128x128xf32, #tpu.memory_space<vmem>>) dst(%dma_wait3A_997 : memref<10240x128xf32, #tpu.memory_space<vmem_shared>>)
      %add3A_998 = arith.constant 1 : i32
      %add3A_999 = arith.addi %add3A_990, %add3A_998 : i32
      %mul3A_1000 = arith.constant 16 : i32
      %mul3A_1001 = arith.muli %add3A_999, %mul3A_1000 : i32
      %add3A_1002 = arith.addi %mul3A_1001, %arg1 : i32
      %dma_wait3A_1003 = arith.constant 2 : i32
      %dma_wait3A_1004 = arith.constant 0 : i32
      %dma_wait3A_1005 = tpu.memref_slice %arg7[%dma_wait3A_1003, %dma_wait3A_1004] : memref<4x128xi32, #tpu.memory_space<vmem>> -> memref<1x128xi32, #tpu.memory_space<vmem>>
      %dma_wait3A_1006 = tpu.memref_squeeze %dma_wait3A_1005 : memref<1x128xi32, #tpu.memory_space<vmem>> -> memref<128xi32, #tpu.memory_space<vmem>>
      %dma_wait3A_1007 = arith.constant 0 : i32
      %dma_wait3A_1008 = tpu.memref_slice %arg3[%arg0, %add3A_1002, %dma_wait3A_1007] : memref<2x1280x128xi32, #tpu.memory_space<hbm>> -> memref<1x1x128xi32, #tpu.memory_space<hbm>>
      %dma_wait3A_1009 = tpu.memref_squeeze %dma_wait3A_1008 : memref<1x1x128xi32, #tpu.memory_space<hbm>> -> memref<128xi32, #tpu.memory_space<hbm>>
      %dma_wait3A_1010 = arith.constant 0 : i32
      %dma_wait3A_1011 = tpu.memref_slice %arg7[%dma_wait3A_1003, %dma_wait3A_1010] : memref<4x128xi32, #tpu.memory_space<vmem>> -> memref<1x128xi32, #tpu.memory_space<vmem>>
      %dma_wait3A_1012 = tpu.memref_squeeze %dma_wait3A_1011 : memref<1x128xi32, #tpu.memory_space<vmem>> -> memref<128xi32, #tpu.memory_space<vmem>>
      %dma_wait3A_1013 = arith.constant 0 : i32
      %dma_wait3A_1014 = tpu.memref_slice %arg3[%arg0, %add3A_1002, %dma_wait3A_1013] : memref<2x1280x128xi32, #tpu.memory_space<hbm>> -> memref<1x1x128xi32, #tpu.memory_space<hbm>>
      %dma_wait3A_1015 = tpu.memref_squeeze %dma_wait3A_1014 : memref<1x1x128xi32, #tpu.memory_space<hbm>> -> memref<128xi32, #tpu.memory_space<hbm>>
      tpu.wait_dma2 semaphore(%arg14 : memref<!tpu.dma_semaphore, #tpu.memory_space<semaphore_mem>>) src(%dma_wait3A_1015 : memref<128xi32, #tpu.memory_space<hbm>>) dst(%dma_wait3A_1012 : memref<128xi32, #tpu.memory_space<vmem>>)
      %dma_wait3A_1016 = arith.constant 2 : i32
      %dma_wait3A_1017 = arith.constant 0 : i32
      %dma_wait3A_1018 = tpu.memref_slice %arg8[%dma_wait3A_1016, %dma_wait3A_1017] : memref<4x128xi32, #tpu.memory_space<vmem>> -> memref<1x128xi32, #tpu.memory_space<vmem>>
      %dma_wait3A_1019 = tpu.memref_squeeze %dma_wait3A_1018 : memref<1x128xi32, #tpu.memory_space<vmem>> -> memref<128xi32, #tpu.memory_space<vmem>>
      %dma_wait3A_1020 = arith.constant 0 : i32
      %dma_wait3A_1021 = tpu.memref_slice %arg4[%add3A_1002, %dma_wait3A_1020] : memref<1280x128xi32, #tpu.memory_space<hbm>> -> memref<1x128xi32, #tpu.memory_space<hbm>>
      %dma_wait3A_1022 = tpu.memref_squeeze %dma_wait3A_1021 : memref<1x128xi32, #tpu.memory_space<hbm>> -> memref<128xi32, #tpu.memory_space<hbm>>
      %dma_wait3A_1023 = arith.constant 0 : i32
      %dma_wait3A_1024 = tpu.memref_slice %arg8[%dma_wait3A_1016, %dma_wait3A_1023] : memref<4x128xi32, #tpu.memory_space<vmem>> -> memref<1x128xi32, #tpu.memory_space<vmem>>
      %dma_wait3A_1025 = tpu.memref_squeeze %dma_wait3A_1024 : memref<1x128xi32, #tpu.memory_space<vmem>> -> memref<128xi32, #tpu.memory_space<vmem>>
      %dma_wait3A_1026 = arith.constant 0 : i32
      %dma_wait3A_1027 = tpu.memref_slice %arg4[%add3A_1002, %dma_wait3A_1026] : memref<1280x128xi32, #tpu.memory_space<hbm>> -> memref<1x128xi32, #tpu.memory_space<hbm>>
      %dma_wait3A_1028 = tpu.memref_squeeze %dma_wait3A_1027 : memref<1x128xi32, #tpu.memory_space<hbm>> -> memref<128xi32, #tpu.memory_space<hbm>>
      tpu.wait_dma2 semaphore(%arg14 : memref<!tpu.dma_semaphore, #tpu.memory_space<semaphore_mem>>) src(%dma_wait3A_1028 : memref<128xi32, #tpu.memory_space<hbm>>) dst(%dma_wait3A_1025 : memref<128xi32, #tpu.memory_space<vmem>>)
      %dma_start3A_1029 = arith.constant 2 : i32
      %dma_start3A_1030 = arith.constant 0 : i32
      %dma_start3A_1031 = tpu.memref_slice %arg7[%dma_start3A_1029, %dma_start3A_1030] : memref<4x128xi32, #tpu.memory_space<vmem>> -> memref<1x128xi32, #tpu.memory_space<vmem>>
      %dma_start3A_1032 = tpu.memref_squeeze %dma_start3A_1031 : memref<1x128xi32, #tpu.memory_space<vmem>> -> memref<128xi32, #tpu.memory_space<vmem>>
      %dma_start3A_1033 = arith.constant 0 : i32
      %dma_start3A_1034 = arith.constant 0 : i32
      %dma_start3A_1035 = tpu.memref_slice %arg2[%dma_start3A_1033, %dma_start3A_1034] : memref<20000x128xf32, #tpu.memory_space<hbm>> -> memref<20000x128xf32, #tpu.memory_space<hbm>>
      tpu.enqueue_indirect_dma source(%dma_start3A_1035 : memref<20000x128xf32, #tpu.memory_space<hbm>>) target(%arg9 : memref<128x128xf32, #tpu.memory_space<vmem>>) offsets(%dma_start3A_1032 : memref<128xi32, #tpu.memory_space<vmem>>) semaphore(%arg16 : memref<!tpu.dma_semaphore, #tpu.memory_space<semaphore_mem>>)
      %dma_wait3A_1036 = arith.constant 1 : i32
      %dma_wait3A_1037 = arith.constant 0 : i32
      %dma_wait3A_1038 = tpu.memref_slice %arg7[%dma_wait3A_1036, %dma_wait3A_1037] : memref<4x128xi32, #tpu.memory_space<vmem>> -> memref<1x128xi32, #tpu.memory_space<vmem>>
      %dma_wait3A_1039 = tpu.memref_squeeze %dma_wait3A_1038 : memref<1x128xi32, #tpu.memory_space<vmem>> -> memref<128xi32, #tpu.memory_space<vmem>>
      %dma_wait3A_1040 = arith.constant 0 : i32
      %dma_wait3A_1041 = arith.constant 0 : i32
      %dma_wait3A_1042 = tpu.memref_slice %arg2[%dma_wait3A_1040, %dma_wait3A_1041] : memref<20000x128xf32, #tpu.memory_space<hbm>> -> memref<20000x128xf32, #tpu.memory_space<hbm>>
      tpu.wait_indirect_dma semaphore(%arg17 : memref<!tpu.dma_semaphore, #tpu.memory_space<semaphore_mem>>) src(%dma_wait3A_1042 : memref<20000x128xf32, #tpu.memory_space<hbm>>) dst(%arg10 : memref<128x128xf32, #tpu.memory_space<vmem>>)
      %dma_start3A_1043 = arith.constant 1 : i32
      %dma_start3A_1044 = arith.constant 0 : i32
      %dma_start3A_1045 = tpu.memref_slice %arg8[%dma_start3A_1043, %dma_start3A_1044] : memref<4x128xi32, #tpu.memory_space<vmem>> -> memref<1x128xi32, #tpu.memory_space<vmem>>
      %dma_start3A_1046 = tpu.memref_squeeze %dma_start3A_1045 : memref<1x128xi32, #tpu.memory_space<vmem>> -> memref<128xi32, #tpu.memory_space<vmem>>
      %dma_start3A_1047 = arith.constant 0 : i32
      %dma_start3A_1048 = arith.constant 0 : i32
      %dma_start3A_1049 = tpu.memref_slice %arg11[%dma_start3A_1047, %dma_start3A_1048] : memref<10240x128xf32, #tpu.memory_space<vmem_shared>> -> memref<10240x128xf32, #tpu.memory_space<vmem_shared>>
      tpu.enqueue_indirect_dma source(%arg10 : memref<128x128xf32, #tpu.memory_space<vmem>>) target(%dma_start3A_1049 : memref<10240x128xf32, #tpu.memory_space<vmem_shared>>) offsets(%dma_start3A_1046 : memref<128xi32, #tpu.memory_space<vmem>>) semaphore(%arg19 : memref<!tpu.dma_semaphore, #tpu.memory_space<semaphore_mem>>) {add = true}
      %add3A_1050 = arith.constant 3 : i32
      %add3A_1051 = arith.addi %add3A_990, %add3A_1050 : i32
      %mul3A_1052 = arith.constant 16 : i32
      %mul3A_1053 = arith.muli %add3A_1051, %mul3A_1052 : i32
      %add3A_1054 = arith.addi %mul3A_1053, %arg1 : i32
      %dma_start3A_1055 = arith.constant 0 : i32
      %dma_start3A_1056 = arith.constant 0 : i32
      %dma_start3A_1057 = tpu.memref_slice %arg7[%dma_start3A_1055, %dma_start3A_1056] : memref<4x128xi32, #tpu.memory_space<vmem>> -> memref<1x128xi32, #tpu.memory_space<vmem>>
      %dma_start3A_1058 = tpu.memref_squeeze %dma_start3A_1057 : memref<1x128xi32, #tpu.memory_space<vmem>> -> memref<128xi32, #tpu.memory_space<vmem>>
      %dma_start3A_1059 = arith.constant 0 : i32
      %dma_start3A_1060 = tpu.memref_slice %arg3[%arg0, %add3A_1054, %dma_start3A_1059] : memref<2x1280x128xi32, #tpu.memory_space<hbm>> -> memref<1x1x128xi32, #tpu.memory_space<hbm>>
      %dma_start3A_1061 = tpu.memref_squeeze %dma_start3A_1060 : memref<1x1x128xi32, #tpu.memory_space<hbm>> -> memref<128xi32, #tpu.memory_space<hbm>>
      %dma_start3A_1062 = arith.constant 0 : i32
      %dma_start3A_1063 = tpu.memref_slice %arg7[%dma_start3A_1055, %dma_start3A_1062] : memref<4x128xi32, #tpu.memory_space<vmem>> -> memref<1x128xi32, #tpu.memory_space<vmem>>
      %dma_start3A_1064 = tpu.memref_squeeze %dma_start3A_1063 : memref<1x128xi32, #tpu.memory_space<vmem>> -> memref<128xi32, #tpu.memory_space<vmem>>
      %dma_start3A_1065 = arith.constant 0 : i32
      %dma_start3A_1066 = tpu.memref_slice %arg3[%arg0, %add3A_1054, %dma_start3A_1065] : memref<2x1280x128xi32, #tpu.memory_space<hbm>> -> memref<1x1x128xi32, #tpu.memory_space<hbm>>
      %dma_start3A_1067 = tpu.memref_squeeze %dma_start3A_1066 : memref<1x1x128xi32, #tpu.memory_space<hbm>> -> memref<128xi32, #tpu.memory_space<hbm>>
      tpu.enqueue_dma source(%dma_start3A_1067 : memref<128xi32, #tpu.memory_space<hbm>>) target(%dma_start3A_1064 : memref<128xi32, #tpu.memory_space<vmem>>) target_semaphore(%arg12 : memref<!tpu.dma_semaphore, #tpu.memory_space<semaphore_mem>>)
      %dma_start3A_1068 = arith.constant 0 : i32
      %dma_start3A_1069 = arith.constant 0 : i32
      %dma_start3A_1070 = tpu.memref_slice %arg8[%dma_start3A_1068, %dma_start3A_1069] : memref<4x128xi32, #tpu.memory_space<vmem>> -> memref<1x128xi32, #tpu.memory_space<vmem>>
      %dma_start3A_1071 = tpu.memref_squeeze %dma_start3A_1070 : memref<1x128xi32, #tpu.memory_space<vmem>> -> memref<128xi32, #tpu.memory_space<vmem>>
      %dma_start3A_1072 = arith.constant 0 : i32
      %dma_start3A_1073 = tpu.memref_slice %arg4[%add3A_1054, %dma_start3A_1072] : memref<1280x128xi32, #tpu.memory_space<hbm>> -> memref<1x128xi32, #tpu.memory_space<hbm>>
      %dma_start3A_1074 = tpu.memref_squeeze %dma_start3A_1073 : memref<1x128xi32, #tpu.memory_space<hbm>> -> memref<128xi32, #tpu.memory_space<hbm>>
      %dma_start3A_1075 = arith.constant 0 : i32
      %dma_start3A_1076 = tpu.memref_slice %arg8[%dma_start3A_1068, %dma_start3A_1075] : memref<4x128xi32, #tpu.memory_space<vmem>> -> memref<1x128xi32, #tpu.memory_space<vmem>>
      %dma_start3A_1077 = tpu.memref_squeeze %dma_start3A_1076 : memref<1x128xi32, #tpu.memory_space<vmem>> -> memref<128xi32, #tpu.memory_space<vmem>>
      %dma_start3A_1078 = arith.constant 0 : i32
      %dma_start3A_1079 = tpu.memref_slice %arg4[%add3A_1054, %dma_start3A_1078] : memref<1280x128xi32, #tpu.memory_space<hbm>> -> memref<1x128xi32, #tpu.memory_space<hbm>>
      %dma_start3A_1080 = tpu.memref_squeeze %dma_start3A_1079 : memref<1x128xi32, #tpu.memory_space<hbm>> -> memref<128xi32, #tpu.memory_space<hbm>>
      tpu.enqueue_dma source(%dma_start3A_1080 : memref<128xi32, #tpu.memory_space<hbm>>) target(%dma_start3A_1077 : memref<128xi32, #tpu.memory_space<vmem>>) target_semaphore(%arg12 : memref<!tpu.dma_semaphore, #tpu.memory_space<semaphore_mem>>)
    }
    %scan3A_299 = arith.constant 18 : i32
    %dma_wait3A_300 = arith.constant 1 : i32
    %dma_wait3A_301 = arith.constant 0 : i32
    %dma_wait3A_302 = tpu.memref_slice %arg8[%dma_wait3A_300, %dma_wait3A_301] : memref<4x128xi32, #tpu.memory_space<vmem>> -> memref<1x128xi32, #tpu.memory_space<vmem>>
    %dma_wait3A_303 = tpu.memref_squeeze %dma_wait3A_302 : memref<1x128xi32, #tpu.memory_space<vmem>> -> memref<128xi32, #tpu.memory_space<vmem>>
    %dma_wait3A_304 = arith.constant 0 : i32
    %dma_wait3A_305 = arith.constant 0 : i32
    %dma_wait3A_306 = tpu.memref_slice %arg11[%dma_wait3A_304, %dma_wait3A_305] : memref<10240x128xf32, #tpu.memory_space<vmem_shared>> -> memref<10240x128xf32, #tpu.memory_space<vmem_shared>>
    tpu.wait_indirect_dma semaphore(%arg19 : memref<!tpu.dma_semaphore, #tpu.memory_space<semaphore_mem>>) src(%arg10 : memref<128x128xf32, #tpu.memory_space<vmem>>) dst(%dma_wait3A_306 : memref<10240x128xf32, #tpu.memory_space<vmem_shared>>)
    %add3A_307 = arith.constant 1200 : i32
    %add3A_308 = arith.addi %add3A_307, %arg1 : i32
    %dma_wait3A_309 = arith.constant 3 : i32
    %dma_wait3A_310 = arith.constant 0 : i32
    %dma_wait3A_311 = tpu.memref_slice %arg7[%dma_wait3A_309, %dma_wait3A_310] : memref<4x128xi32, #tpu.memory_space<vmem>> -> memref<1x128xi32, #tpu.memory_space<vmem>>
    %dma_wait3A_312 = tpu.memref_squeeze %dma_wait3A_311 : memref<1x128xi32, #tpu.memory_space<vmem>> -> memref<128xi32, #tpu.memory_space<vmem>>
    %dma_wait3A_313 = arith.constant 0 : i32
    %dma_wait3A_314 = tpu.memref_slice %arg3[%arg0, %add3A_308, %dma_wait3A_313] : memref<2x1280x128xi32, #tpu.memory_space<hbm>> -> memref<1x1x128xi32, #tpu.memory_space<hbm>>
    %dma_wait3A_315 = tpu.memref_squeeze %dma_wait3A_314 : memref<1x1x128xi32, #tpu.memory_space<hbm>> -> memref<128xi32, #tpu.memory_space<hbm>>
    %dma_wait3A_316 = arith.constant 0 : i32
    %dma_wait3A_317 = tpu.memref_slice %arg7[%dma_wait3A_309, %dma_wait3A_316] : memref<4x128xi32, #tpu.memory_space<vmem>> -> memref<1x128xi32, #tpu.memory_space<vmem>>
    %dma_wait3A_318 = tpu.memref_squeeze %dma_wait3A_317 : memref<1x128xi32, #tpu.memory_space<vmem>> -> memref<128xi32, #tpu.memory_space<vmem>>
    %dma_wait3A_319 = arith.constant 0 : i32
    %dma_wait3A_320 = tpu.memref_slice %arg3[%arg0, %add3A_308, %dma_wait3A_319] : memref<2x1280x128xi32, #tpu.memory_space<hbm>> -> memref<1x1x128xi32, #tpu.memory_space<hbm>>
    %dma_wait3A_321 = tpu.memref_squeeze %dma_wait3A_320 : memref<1x1x128xi32, #tpu.memory_space<hbm>> -> memref<128xi32, #tpu.memory_space<hbm>>
    tpu.wait_dma2 semaphore(%arg15 : memref<!tpu.dma_semaphore, #tpu.memory_space<semaphore_mem>>) src(%dma_wait3A_321 : memref<128xi32, #tpu.memory_space<hbm>>) dst(%dma_wait3A_318 : memref<128xi32, #tpu.memory_space<vmem>>)
    %dma_wait3A_322 = arith.constant 3 : i32
    %dma_wait3A_323 = arith.constant 0 : i32
    %dma_wait3A_324 = tpu.memref_slice %arg8[%dma_wait3A_322, %dma_wait3A_323] : memref<4x128xi32, #tpu.memory_space<vmem>> -> memref<1x128xi32, #tpu.memory_space<vmem>>
    %dma_wait3A_325 = tpu.memref_squeeze %dma_wait3A_324 : memref<1x128xi32, #tpu.memory_space<vmem>> -> memref<128xi32, #tpu.memory_space<vmem>>
    %dma_wait3A_326 = arith.constant 0 : i32
    %dma_wait3A_327 = tpu.memref_slice %arg4[%add3A_308, %dma_wait3A_326] : memref<1280x128xi32, #tpu.memory_space<hbm>> -> memref<1x128xi32, #tpu.memory_space<hbm>>
    %dma_wait3A_328 = tpu.memref_squeeze %dma_wait3A_327 : memref<1x128xi32, #tpu.memory_space<hbm>> -> memref<128xi32, #tpu.memory_space<hbm>>
    %dma_wait3A_329 = arith.constant 0 : i32
    %dma_wait3A_330 = tpu.memref_slice %arg8[%dma_wait3A_322, %dma_wait3A_329] : memref<4x128xi32, #tpu.memory_space<vmem>> -> memref<1x128xi32, #tpu.memory_space<vmem>>
    %dma_wait3A_331 = tpu.memref_squeeze %dma_wait3A_330 : memref<1x128xi32, #tpu.memory_space<vmem>> -> memref<128xi32, #tpu.memory_space<vmem>>
    %dma_wait3A_332 = arith.constant 0 : i32
    %dma_wait3A_333 = tpu.memref_slice %arg4[%add3A_308, %dma_wait3A_332] : memref<1280x128xi32, #tpu.memory_space<hbm>> -> memref<1x128xi32, #tpu.memory_space<hbm>>
    %dma_wait3A_334 = tpu.memref_squeeze %dma_wait3A_333 : memref<1x128xi32, #tpu.memory_space<hbm>> -> memref<128xi32, #tpu.memory_space<hbm>>
    tpu.wait_dma2 semaphore(%arg15 : memref<!tpu.dma_semaphore, #tpu.memory_space<semaphore_mem>>) src(%dma_wait3A_334 : memref<128xi32, #tpu.memory_space<hbm>>) dst(%dma_wait3A_331 : memref<128xi32, #tpu.memory_space<vmem>>)
    %dma_start3A_335 = arith.constant 3 : i32
    %dma_start3A_336 = arith.constant 0 : i32
    %dma_start3A_337 = tpu.memref_slice %arg7[%dma_start3A_335, %dma_start3A_336] : memref<4x128xi32, #tpu.memory_space<vmem>> -> memref<1x128xi32, #tpu.memory_space<vmem>>
    %dma_start3A_338 = tpu.memref_squeeze %dma_start3A_337 : memref<1x128xi32, #tpu.memory_space<vmem>> -> memref<128xi32, #tpu.memory_space<vmem>>
    %dma_start3A_339 = arith.constant 0 : i32
    %dma_start3A_340 = arith.constant 0 : i32
    %dma_start3A_341 = tpu.memref_slice %arg2[%dma_start3A_339, %dma_start3A_340] : memref<20000x128xf32, #tpu.memory_space<hbm>> -> memref<20000x128xf32, #tpu.memory_space<hbm>>
    tpu.enqueue_indirect_dma source(%dma_start3A_341 : memref<20000x128xf32, #tpu.memory_space<hbm>>) target(%arg10 : memref<128x128xf32, #tpu.memory_space<vmem>>) offsets(%dma_start3A_338 : memref<128xi32, #tpu.memory_space<vmem>>) semaphore(%arg17 : memref<!tpu.dma_semaphore, #tpu.memory_space<semaphore_mem>>)
    %dma_wait3A_342 = arith.constant 2 : i32
    %dma_wait3A_343 = arith.constant 0 : i32
    %dma_wait3A_344 = tpu.memref_slice %arg7[%dma_wait3A_342, %dma_wait3A_343] : memref<4x128xi32, #tpu.memory_space<vmem>> -> memref<1x128xi32, #tpu.memory_space<vmem>>
    %dma_wait3A_345 = tpu.memref_squeeze %dma_wait3A_344 : memref<1x128xi32, #tpu.memory_space<vmem>> -> memref<128xi32, #tpu.memory_space<vmem>>
    %dma_wait3A_346 = arith.constant 0 : i32
    %dma_wait3A_347 = arith.constant 0 : i32
    %dma_wait3A_348 = tpu.memref_slice %arg2[%dma_wait3A_346, %dma_wait3A_347] : memref<20000x128xf32, #tpu.memory_space<hbm>> -> memref<20000x128xf32, #tpu.memory_space<hbm>>
    tpu.wait_indirect_dma semaphore(%arg16 : memref<!tpu.dma_semaphore, #tpu.memory_space<semaphore_mem>>) src(%dma_wait3A_348 : memref<20000x128xf32, #tpu.memory_space<hbm>>) dst(%arg9 : memref<128x128xf32, #tpu.memory_space<vmem>>)
    %dma_start3A_349 = arith.constant 2 : i32
    %dma_start3A_350 = arith.constant 0 : i32
    %dma_start3A_351 = tpu.memref_slice %arg8[%dma_start3A_349, %dma_start3A_350] : memref<4x128xi32, #tpu.memory_space<vmem>> -> memref<1x128xi32, #tpu.memory_space<vmem>>
    %dma_start3A_352 = tpu.memref_squeeze %dma_start3A_351 : memref<1x128xi32, #tpu.memory_space<vmem>> -> memref<128xi32, #tpu.memory_space<vmem>>
    %dma_start3A_353 = arith.constant 0 : i32
    %dma_start3A_354 = arith.constant 0 : i32
    %dma_start3A_355 = tpu.memref_slice %arg11[%dma_start3A_353, %dma_start3A_354] : memref<10240x128xf32, #tpu.memory_space<vmem_shared>> -> memref<10240x128xf32, #tpu.memory_space<vmem_shared>>
    tpu.enqueue_indirect_dma source(%arg9 : memref<128x128xf32, #tpu.memory_space<vmem>>) target(%dma_start3A_355 : memref<10240x128xf32, #tpu.memory_space<vmem_shared>>) offsets(%dma_start3A_352 : memref<128xi32, #tpu.memory_space<vmem>>) semaphore(%arg18 : memref<!tpu.dma_semaphore, #tpu.memory_space<semaphore_mem>>) {add = true}
    %add3A_356 = arith.constant 1232 : i32
    %add3A_357 = arith.addi %add3A_356, %arg1 : i32
    %dma_start3A_358 = arith.constant 1 : i32
    %dma_start3A_359 = arith.constant 0 : i32
    %dma_start3A_360 = tpu.memref_slice %arg7[%dma_start3A_358, %dma_start3A_359] : memref<4x128xi32, #tpu.memory_space<vmem>> -> memref<1x128xi32, #tpu.memory_space<vmem>>
    %dma_start3A_361 = tpu.memref_squeeze %dma_start3A_360 : memref<1x128xi32, #tpu.memory_space<vmem>> -> memref<128xi32, #tpu.memory_space<vmem>>
    %dma_start3A_362 = arith.constant 0 : i32
    %dma_start3A_363 = tpu.memref_slice %arg3[%arg0, %add3A_357, %dma_start3A_362] : memref<2x1280x128xi32, #tpu.memory_space<hbm>> -> memref<1x1x128xi32, #tpu.memory_space<hbm>>
    %dma_start3A_364 = tpu.memref_squeeze %dma_start3A_363 : memref<1x1x128xi32, #tpu.memory_space<hbm>> -> memref<128xi32, #tpu.memory_space<hbm>>
    %dma_start3A_365 = arith.constant 0 : i32
    %dma_start3A_366 = tpu.memref_slice %arg7[%dma_start3A_358, %dma_start3A_365] : memref<4x128xi32, #tpu.memory_space<vmem>> -> memref<1x128xi32, #tpu.memory_space<vmem>>
    %dma_start3A_367 = tpu.memref_squeeze %dma_start3A_366 : memref<1x128xi32, #tpu.memory_space<vmem>> -> memref<128xi32, #tpu.memory_space<vmem>>
    %dma_start3A_368 = arith.constant 0 : i32
    %dma_start3A_369 = tpu.memref_slice %arg3[%arg0, %add3A_357, %dma_start3A_368] : memref<2x1280x128xi32, #tpu.memory_space<hbm>> -> memref<1x1x128xi32, #tpu.memory_space<hbm>>
    %dma_start3A_370 = tpu.memref_squeeze %dma_start3A_369 : memref<1x1x128xi32, #tpu.memory_space<hbm>> -> memref<128xi32, #tpu.memory_space<hbm>>
    tpu.enqueue_dma source(%dma_start3A_370 : memref<128xi32, #tpu.memory_space<hbm>>) target(%dma_start3A_367 : memref<128xi32, #tpu.memory_space<vmem>>) target_semaphore(%arg13 : memref<!tpu.dma_semaphore, #tpu.memory_space<semaphore_mem>>)
    %dma_start3A_371 = arith.constant 1 : i32
    %dma_start3A_372 = arith.constant 0 : i32
    %dma_start3A_373 = tpu.memref_slice %arg8[%dma_start3A_371, %dma_start3A_372] : memref<4x128xi32, #tpu.memory_space<vmem>> -> memref<1x128xi32, #tpu.memory_space<vmem>>
    %dma_start3A_374 = tpu.memref_squeeze %dma_start3A_373 : memref<1x128xi32, #tpu.memory_space<vmem>> -> memref<128xi32, #tpu.memory_space<vmem>>
    %dma_start3A_375 = arith.constant 0 : i32
    %dma_start3A_376 = tpu.memref_slice %arg4[%add3A_357, %dma_start3A_375] : memref<1280x128xi32, #tpu.memory_space<hbm>> -> memref<1x128xi32, #tpu.memory_space<hbm>>
    %dma_start3A_377 = tpu.memref_squeeze %dma_start3A_376 : memref<1x128xi32, #tpu.memory_space<hbm>> -> memref<128xi32, #tpu.memory_space<hbm>>
    %dma_start3A_378 = arith.constant 0 : i32
    %dma_start3A_379 = tpu.memref_slice %arg8[%dma_start3A_371, %dma_start3A_378] : memref<4x128xi32, #tpu.memory_space<vmem>> -> memref<1x128xi32, #tpu.memory_space<vmem>>
    %dma_start3A_380 = tpu.memref_squeeze %dma_start3A_379 : memref<1x128xi32, #tpu.memory_space<vmem>> -> memref<128xi32, #tpu.memory_space<vmem>>
    %dma_start3A_381 = arith.constant 0 : i32
    %dma_start3A_382 = tpu.memref_slice %arg4[%add3A_357, %dma_start3A_381] : memref<1280x128xi32, #tpu.memory_space<hbm>> -> memref<1x128xi32, #tpu.memory_space<hbm>>
    %dma_start3A_383 = tpu.memref_squeeze %dma_start3A_382 : memref<1x128xi32, #tpu.memory_space<hbm>> -> memref<128xi32, #tpu.memory_space<hbm>>
    tpu.enqueue_dma source(%dma_start3A_383 : memref<128xi32, #tpu.memory_space<hbm>>) target(%dma_start3A_380 : memref<128xi32, #tpu.memory_space<vmem>>) target_semaphore(%arg13 : memref<!tpu.dma_semaphore, #tpu.memory_space<semaphore_mem>>)
    %dma_wait3A_384 = arith.constant 2 : i32
    %dma_wait3A_385 = arith.constant 0 : i32
    %dma_wait3A_386 = tpu.memref_slice %arg8[%dma_wait3A_384, %dma_wait3A_385] : memref<4x128xi32, #tpu.memory_space<vmem>> -> memref<1x128xi32, #tpu.memory_space<vmem>>
    %dma_wait3A_387 = tpu.memref_squeeze %dma_wait3A_386 : memref<1x128xi32, #tpu.memory_space<vmem>> -> memref<128xi32, #tpu.memory_space<vmem>>
    %dma_wait3A_388 = arith.constant 0 : i32
    %dma_wait3A_389 = arith.constant 0 : i32
    %dma_wait3A_390 = tpu.memref_slice %arg11[%dma_wait3A_388, %dma_wait3A_389] : memref<10240x128xf32, #tpu.memory_space<vmem_shared>> -> memref<10240x128xf32, #tpu.memory_space<vmem_shared>>
    tpu.wait_indirect_dma semaphore(%arg18 : memref<!tpu.dma_semaphore, #tpu.memory_space<semaphore_mem>>) src(%arg9 : memref<128x128xf32, #tpu.memory_space<vmem>>) dst(%dma_wait3A_390 : memref<10240x128xf32, #tpu.memory_space<vmem_shared>>)
    %add3A_391 = arith.constant 1216 : i32
    %add3A_392 = arith.addi %add3A_391, %arg1 : i32
    %dma_wait3A_393 = arith.constant 0 : i32
    %dma_wait3A_394 = arith.constant 0 : i32
    %dma_wait3A_395 = tpu.memref_slice %arg7[%dma_wait3A_393, %dma_wait3A_394] : memref<4x128xi32, #tpu.memory_space<vmem>> -> memref<1x128xi32, #tpu.memory_space<vmem>>
    %dma_wait3A_396 = tpu.memref_squeeze %dma_wait3A_395 : memref<1x128xi32, #tpu.memory_space<vmem>> -> memref<128xi32, #tpu.memory_space<vmem>>
    %dma_wait3A_397 = arith.constant 0 : i32
    %dma_wait3A_398 = tpu.memref_slice %arg3[%arg0, %add3A_392, %dma_wait3A_397] : memref<2x1280x128xi32, #tpu.memory_space<hbm>> -> memref<1x1x128xi32, #tpu.memory_space<hbm>>
    %dma_wait3A_399 = tpu.memref_squeeze %dma_wait3A_398 : memref<1x1x128xi32, #tpu.memory_space<hbm>> -> memref<128xi32, #tpu.memory_space<hbm>>
    %dma_wait3A_400 = arith.constant 0 : i32
    %dma_wait3A_401 = tpu.memref_slice %arg7[%dma_wait3A_393, %dma_wait3A_400] : memref<4x128xi32, #tpu.memory_space<vmem>> -> memref<1x128xi32, #tpu.memory_space<vmem>>
    %dma_wait3A_402 = tpu.memref_squeeze %dma_wait3A_401 : memref<1x128xi32, #tpu.memory_space<vmem>> -> memref<128xi32, #tpu.memory_space<vmem>>
    %dma_wait3A_403 = arith.constant 0 : i32
    %dma_wait3A_404 = tpu.memref_slice %arg3[%arg0, %add3A_392, %dma_wait3A_403] : memref<2x1280x128xi32, #tpu.memory_space<hbm>> -> memref<1x1x128xi32, #tpu.memory_space<hbm>>
    %dma_wait3A_405 = tpu.memref_squeeze %dma_wait3A_404 : memref<1x1x128xi32, #tpu.memory_space<hbm>> -> memref<128xi32, #tpu.memory_space<hbm>>
    tpu.wait_dma2 semaphore(%arg12 : memref<!tpu.dma_semaphore, #tpu.memory_space<semaphore_mem>>) src(%dma_wait3A_405 : memref<128xi32, #tpu.memory_space<hbm>>) dst(%dma_wait3A_402 : memref<128xi32, #tpu.memory_space<vmem>>)
    %dma_wait3A_406 = arith.constant 0 : i32
    %dma_wait3A_407 = arith.constant 0 : i32
    %dma_wait3A_408 = tpu.memref_slice %arg8[%dma_wait3A_406, %dma_wait3A_407] : memref<4x128xi32, #tpu.memory_space<vmem>> -> memref<1x128xi32, #tpu.memory_space<vmem>>
    %dma_wait3A_409 = tpu.memref_squeeze %dma_wait3A_408 : memref<1x128xi32, #tpu.memory_space<vmem>> -> memref<128xi32, #tpu.memory_space<vmem>>
    %dma_wait3A_410 = arith.constant 0 : i32
    %dma_wait3A_411 = tpu.memref_slice %arg4[%add3A_392, %dma_wait3A_410] : memref<1280x128xi32, #tpu.memory_space<hbm>> -> memref<1x128xi32, #tpu.memory_space<hbm>>
    %dma_wait3A_412 = tpu.memref_squeeze %dma_wait3A_411 : memref<1x128xi32, #tpu.memory_space<hbm>> -> memref<128xi32, #tpu.memory_space<hbm>>
    %dma_wait3A_413 = arith.constant 0 : i32
    %dma_wait3A_414 = tpu.memref_slice %arg8[%dma_wait3A_406, %dma_wait3A_413] : memref<4x128xi32, #tpu.memory_space<vmem>> -> memref<1x128xi32, #tpu.memory_space<vmem>>
    %dma_wait3A_415 = tpu.memref_squeeze %dma_wait3A_414 : memref<1x128xi32, #tpu.memory_space<vmem>> -> memref<128xi32, #tpu.memory_space<vmem>>
    %dma_wait3A_416 = arith.constant 0 : i32
    %dma_wait3A_417 = tpu.memref_slice %arg4[%add3A_392, %dma_wait3A_416] : memref<1280x128xi32, #tpu.memory_space<hbm>> -> memref<1x128xi32, #tpu.memory_space<hbm>>
    %dma_wait3A_418 = tpu.memref_squeeze %dma_wait3A_417 : memref<1x128xi32, #tpu.memory_space<hbm>> -> memref<128xi32, #tpu.memory_space<hbm>>
    tpu.wait_dma2 semaphore(%arg12 : memref<!tpu.dma_semaphore, #tpu.memory_space<semaphore_mem>>) src(%dma_wait3A_418 : memref<128xi32, #tpu.memory_space<hbm>>) dst(%dma_wait3A_415 : memref<128xi32, #tpu.memory_space<vmem>>)
    %dma_start3A_419 = arith.constant 0 : i32
    %dma_start3A_420 = arith.constant 0 : i32
    %dma_start3A_421 = tpu.memref_slice %arg7[%dma_start3A_419, %dma_start3A_420] : memref<4x128xi32, #tpu.memory_space<vmem>> -> memref<1x128xi32, #tpu.memory_space<vmem>>
    %dma_start3A_422 = tpu.memref_squeeze %dma_start3A_421 : memref<1x128xi32, #tpu.memory_space<vmem>> -> memref<128xi32, #tpu.memory_space<vmem>>
    %dma_start3A_423 = arith.constant 0 : i32
    %dma_start3A_424 = arith.constant 0 : i32
    %dma_start3A_425 = tpu.memref_slice %arg2[%dma_start3A_423, %dma_start3A_424] : memref<20000x128xf32, #tpu.memory_space<hbm>> -> memref<20000x128xf32, #tpu.memory_space<hbm>>
    tpu.enqueue_indirect_dma source(%dma_start3A_425 : memref<20000x128xf32, #tpu.memory_space<hbm>>) target(%arg9 : memref<128x128xf32, #tpu.memory_space<vmem>>) offsets(%dma_start3A_422 : memref<128xi32, #tpu.memory_space<vmem>>) semaphore(%arg16 : memref<!tpu.dma_semaphore, #tpu.memory_space<semaphore_mem>>)
    %dma_wait3A_426 = arith.constant 3 : i32
    %dma_wait3A_427 = arith.constant 0 : i32
    %dma_wait3A_428 = tpu.memref_slice %arg7[%dma_wait3A_426, %dma_wait3A_427] : memref<4x128xi32, #tpu.memory_space<vmem>> -> memref<1x128xi32, #tpu.memory_space<vmem>>
    %dma_wait3A_429 = tpu.memref_squeeze %dma_wait3A_428 : memref<1x128xi32, #tpu.memory_space<vmem>> -> memref<128xi32, #tpu.memory_space<vmem>>
    %dma_wait3A_430 = arith.constant 0 : i32
    %dma_wait3A_431 = arith.constant 0 : i32
    %dma_wait3A_432 = tpu.memref_slice %arg2[%dma_wait3A_430, %dma_wait3A_431] : memref<20000x128xf32, #tpu.memory_space<hbm>> -> memref<20000x128xf32, #tpu.memory_space<hbm>>
    tpu.wait_indirect_dma semaphore(%arg17 : memref<!tpu.dma_semaphore, #tpu.memory_space<semaphore_mem>>) src(%dma_wait3A_432 : memref<20000x128xf32, #tpu.memory_space<hbm>>) dst(%arg10 : memref<128x128xf32, #tpu.memory_space<vmem>>)
    %dma_start3A_433 = arith.constant 3 : i32
    %dma_start3A_434 = arith.constant 0 : i32
    %dma_start3A_435 = tpu.memref_slice %arg8[%dma_start3A_433, %dma_start3A_434] : memref<4x128xi32, #tpu.memory_space<vmem>> -> memref<1x128xi32, #tpu.memory_space<vmem>>
    %dma_start3A_436 = tpu.memref_squeeze %dma_start3A_435 : memref<1x128xi32, #tpu.memory_space<vmem>> -> memref<128xi32, #tpu.memory_space<vmem>>
    %dma_start3A_437 = arith.constant 0 : i32
    %dma_start3A_438 = arith.constant 0 : i32
    %dma_start3A_439 = tpu.memref_slice %arg11[%dma_start3A_437, %dma_start3A_438] : memref<10240x128xf32, #tpu.memory_space<vmem_shared>> -> memref<10240x128xf32, #tpu.memory_space<vmem_shared>>
    tpu.enqueue_indirect_dma source(%arg10 : memref<128x128xf32, #tpu.memory_space<vmem>>) target(%dma_start3A_439 : memref<10240x128xf32, #tpu.memory_space<vmem_shared>>) offsets(%dma_start3A_436 : memref<128xi32, #tpu.memory_space<vmem>>) semaphore(%arg19 : memref<!tpu.dma_semaphore, #tpu.memory_space<semaphore_mem>>) {add = true}
    %add3A_440 = arith.constant 1248 : i32
    %add3A_441 = arith.addi %add3A_440, %arg1 : i32
    %dma_start3A_442 = arith.constant 2 : i32
    %dma_start3A_443 = arith.constant 0 : i32
    %dma_start3A_444 = tpu.memref_slice %arg7[%dma_start3A_442, %dma_start3A_443] : memref<4x128xi32, #tpu.memory_space<vmem>> -> memref<1x128xi32, #tpu.memory_space<vmem>>
    %dma_start3A_445 = tpu.memref_squeeze %dma_start3A_444 : memref<1x128xi32, #tpu.memory_space<vmem>> -> memref<128xi32, #tpu.memory_space<vmem>>
    %dma_start3A_446 = arith.constant 0 : i32
    %dma_start3A_447 = tpu.memref_slice %arg3[%arg0, %add3A_441, %dma_start3A_446] : memref<2x1280x128xi32, #tpu.memory_space<hbm>> -> memref<1x1x128xi32, #tpu.memory_space<hbm>>
    %dma_start3A_448 = tpu.memref_squeeze %dma_start3A_447 : memref<1x1x128xi32, #tpu.memory_space<hbm>> -> memref<128xi32, #tpu.memory_space<hbm>>
    %dma_start3A_449 = arith.constant 0 : i32
    %dma_start3A_450 = tpu.memref_slice %arg7[%dma_start3A_442, %dma_start3A_449] : memref<4x128xi32, #tpu.memory_space<vmem>> -> memref<1x128xi32, #tpu.memory_space<vmem>>
    %dma_start3A_451 = tpu.memref_squeeze %dma_start3A_450 : memref<1x128xi32, #tpu.memory_space<vmem>> -> memref<128xi32, #tpu.memory_space<vmem>>
    %dma_start3A_452 = arith.constant 0 : i32
    %dma_start3A_453 = tpu.memref_slice %arg3[%arg0, %add3A_441, %dma_start3A_452] : memref<2x1280x128xi32, #tpu.memory_space<hbm>> -> memref<1x1x128xi32, #tpu.memory_space<hbm>>
    %dma_start3A_454 = tpu.memref_squeeze %dma_start3A_453 : memref<1x1x128xi32, #tpu.memory_space<hbm>> -> memref<128xi32, #tpu.memory_space<hbm>>
    tpu.enqueue_dma source(%dma_start3A_454 : memref<128xi32, #tpu.memory_space<hbm>>) target(%dma_start3A_451 : memref<128xi32, #tpu.memory_space<vmem>>) target_semaphore(%arg14 : memref<!tpu.dma_semaphore, #tpu.memory_space<semaphore_mem>>)
    %dma_start3A_455 = arith.constant 2 : i32
    %dma_start3A_456 = arith.constant 0 : i32
    %dma_start3A_457 = tpu.memref_slice %arg8[%dma_start3A_455, %dma_start3A_456] : memref<4x128xi32, #tpu.memory_space<vmem>> -> memref<1x128xi32, #tpu.memory_space<vmem>>
    %dma_start3A_458 = tpu.memref_squeeze %dma_start3A_457 : memref<1x128xi32, #tpu.memory_space<vmem>> -> memref<128xi32, #tpu.memory_space<vmem>>
    %dma_start3A_459 = arith.constant 0 : i32
    %dma_start3A_460 = tpu.memref_slice %arg4[%add3A_441, %dma_start3A_459] : memref<1280x128xi32, #tpu.memory_space<hbm>> -> memref<1x128xi32, #tpu.memory_space<hbm>>
    %dma_start3A_461 = tpu.memref_squeeze %dma_start3A_460 : memref<1x128xi32, #tpu.memory_space<hbm>> -> memref<128xi32, #tpu.memory_space<hbm>>
    %dma_start3A_462 = arith.constant 0 : i32
    %dma_start3A_463 = tpu.memref_slice %arg8[%dma_start3A_455, %dma_start3A_462] : memref<4x128xi32, #tpu.memory_space<vmem>> -> memref<1x128xi32, #tpu.memory_space<vmem>>
    %dma_start3A_464 = tpu.memref_squeeze %dma_start3A_463 : memref<1x128xi32, #tpu.memory_space<vmem>> -> memref<128xi32, #tpu.memory_space<vmem>>
    %dma_start3A_465 = arith.constant 0 : i32
    %dma_start3A_466 = tpu.memref_slice %arg4[%add3A_441, %dma_start3A_465] : memref<1280x128xi32, #tpu.memory_space<hbm>> -> memref<1x128xi32, #tpu.memory_space<hbm>>
    %dma_start3A_467 = tpu.memref_squeeze %dma_start3A_466 : memref<1x128xi32, #tpu.memory_space<hbm>> -> memref<128xi32, #tpu.memory_space<hbm>>
    tpu.enqueue_dma source(%dma_start3A_467 : memref<128xi32, #tpu.memory_space<hbm>>) target(%dma_start3A_464 : memref<128xi32, #tpu.memory_space<vmem>>) target_semaphore(%arg14 : memref<!tpu.dma_semaphore, #tpu.memory_space<semaphore_mem>>)
    %dma_wait3A_468 = arith.constant 3 : i32
    %dma_wait3A_469 = arith.constant 0 : i32
    %dma_wait3A_470 = tpu.memref_slice %arg8[%dma_wait3A_468, %dma_wait3A_469] : memref<4x128xi32, #tpu.memory_space<vmem>> -> memref<1x128xi32, #tpu.memory_space<vmem>>
    %dma_wait3A_471 = tpu.memref_squeeze %dma_wait3A_470 : memref<1x128xi32, #tpu.memory_space<vmem>> -> memref<128xi32, #tpu.memory_space<vmem>>
    %dma_wait3A_472 = arith.constant 0 : i32
    %dma_wait3A_473 = arith.constant 0 : i32
    %dma_wait3A_474 = tpu.memref_slice %arg11[%dma_wait3A_472, %dma_wait3A_473] : memref<10240x128xf32, #tpu.memory_space<vmem_shared>> -> memref<10240x128xf32, #tpu.memory_space<vmem_shared>>
    tpu.wait_indirect_dma semaphore(%arg19 : memref<!tpu.dma_semaphore, #tpu.memory_space<semaphore_mem>>) src(%arg10 : memref<128x128xf32, #tpu.memory_space<vmem>>) dst(%dma_wait3A_474 : memref<10240x128xf32, #tpu.memory_space<vmem_shared>>)
    %add3A_475 = arith.constant 1232 : i32
    %add3A_476 = arith.addi %add3A_475, %arg1 : i32
    %dma_wait3A_477 = arith.constant 1 : i32
    %dma_wait3A_478 = arith.constant 0 : i32
    %dma_wait3A_479 = tpu.memref_slice %arg7[%dma_wait3A_477, %dma_wait3A_478] : memref<4x128xi32, #tpu.memory_space<vmem>> -> memref<1x128xi32, #tpu.memory_space<vmem>>
    %dma_wait3A_480 = tpu.memref_squeeze %dma_wait3A_479 : memref<1x128xi32, #tpu.memory_space<vmem>> -> memref<128xi32, #tpu.memory_space<vmem>>
    %dma_wait3A_481 = arith.constant 0 : i32
    %dma_wait3A_482 = tpu.memref_slice %arg3[%arg0, %add3A_476, %dma_wait3A_481] : memref<2x1280x128xi32, #tpu.memory_space<hbm>> -> memref<1x1x128xi32, #tpu.memory_space<hbm>>
    %dma_wait3A_483 = tpu.memref_squeeze %dma_wait3A_482 : memref<1x1x128xi32, #tpu.memory_space<hbm>> -> memref<128xi32, #tpu.memory_space<hbm>>
    %dma_wait3A_484 = arith.constant 0 : i32
    %dma_wait3A_485 = tpu.memref_slice %arg7[%dma_wait3A_477, %dma_wait3A_484] : memref<4x128xi32, #tpu.memory_space<vmem>> -> memref<1x128xi32, #tpu.memory_space<vmem>>
    %dma_wait3A_486 = tpu.memref_squeeze %dma_wait3A_485 : memref<1x128xi32, #tpu.memory_space<vmem>> -> memref<128xi32, #tpu.memory_space<vmem>>
    %dma_wait3A_487 = arith.constant 0 : i32
    %dma_wait3A_488 = tpu.memref_slice %arg3[%arg0, %add3A_476, %dma_wait3A_487] : memref<2x1280x128xi32, #tpu.memory_space<hbm>> -> memref<1x1x128xi32, #tpu.memory_space<hbm>>
    %dma_wait3A_489 = tpu.memref_squeeze %dma_wait3A_488 : memref<1x1x128xi32, #tpu.memory_space<hbm>> -> memref<128xi32, #tpu.memory_space<hbm>>
    tpu.wait_dma2 semaphore(%arg13 : memref<!tpu.dma_semaphore, #tpu.memory_space<semaphore_mem>>) src(%dma_wait3A_489 : memref<128xi32, #tpu.memory_space<hbm>>) dst(%dma_wait3A_486 : memref<128xi32, #tpu.memory_space<vmem>>)
    %dma_wait3A_490 = arith.constant 1 : i32
    %dma_wait3A_491 = arith.constant 0 : i32
    %dma_wait3A_492 = tpu.memref_slice %arg8[%dma_wait3A_490, %dma_wait3A_491] : memref<4x128xi32, #tpu.memory_space<vmem>> -> memref<1x128xi32, #tpu.memory_space<vmem>>
    %dma_wait3A_493 = tpu.memref_squeeze %dma_wait3A_492 : memref<1x128xi32, #tpu.memory_space<vmem>> -> memref<128xi32, #tpu.memory_space<vmem>>
    %dma_wait3A_494 = arith.constant 0 : i32
    %dma_wait3A_495 = tpu.memref_slice %arg4[%add3A_476, %dma_wait3A_494] : memref<1280x128xi32, #tpu.memory_space<hbm>> -> memref<1x128xi32, #tpu.memory_space<hbm>>
    %dma_wait3A_496 = tpu.memref_squeeze %dma_wait3A_495 : memref<1x128xi32, #tpu.memory_space<hbm>> -> memref<128xi32, #tpu.memory_space<hbm>>
    %dma_wait3A_497 = arith.constant 0 : i32
    %dma_wait3A_498 = tpu.memref_slice %arg8[%dma_wait3A_490, %dma_wait3A_497] : memref<4x128xi32, #tpu.memory_space<vmem>> -> memref<1x128xi32, #tpu.memory_space<vmem>>
    %dma_wait3A_499 = tpu.memref_squeeze %dma_wait3A_498 : memref<1x128xi32, #tpu.memory_space<vmem>> -> memref<128xi32, #tpu.memory_space<vmem>>
    %dma_wait3A_500 = arith.constant 0 : i32
    %dma_wait3A_501 = tpu.memref_slice %arg4[%add3A_476, %dma_wait3A_500] : memref<1280x128xi32, #tpu.memory_space<hbm>> -> memref<1x128xi32, #tpu.memory_space<hbm>>
    %dma_wait3A_502 = tpu.memref_squeeze %dma_wait3A_501 : memref<1x128xi32, #tpu.memory_space<hbm>> -> memref<128xi32, #tpu.memory_space<hbm>>
    tpu.wait_dma2 semaphore(%arg13 : memref<!tpu.dma_semaphore, #tpu.memory_space<semaphore_mem>>) src(%dma_wait3A_502 : memref<128xi32, #tpu.memory_space<hbm>>) dst(%dma_wait3A_499 : memref<128xi32, #tpu.memory_space<vmem>>)
    %dma_start3A_503 = arith.constant 1 : i32
    %dma_start3A_504 = arith.constant 0 : i32
    %dma_start3A_505 = tpu.memref_slice %arg7[%dma_start3A_503, %dma_start3A_504] : memref<4x128xi32, #tpu.memory_space<vmem>> -> memref<1x128xi32, #tpu.memory_space<vmem>>
    %dma_start3A_506 = tpu.memref_squeeze %dma_start3A_505 : memref<1x128xi32, #tpu.memory_space<vmem>> -> memref<128xi32, #tpu.memory_space<vmem>>
    %dma_start3A_507 = arith.constant 0 : i32
    %dma_start3A_508 = arith.constant 0 : i32
    %dma_start3A_509 = tpu.memref_slice %arg2[%dma_start3A_507, %dma_start3A_508] : memref<20000x128xf32, #tpu.memory_space<hbm>> -> memref<20000x128xf32, #tpu.memory_space<hbm>>
    tpu.enqueue_indirect_dma source(%dma_start3A_509 : memref<20000x128xf32, #tpu.memory_space<hbm>>) target(%arg10 : memref<128x128xf32, #tpu.memory_space<vmem>>) offsets(%dma_start3A_506 : memref<128xi32, #tpu.memory_space<vmem>>) semaphore(%arg17 : memref<!tpu.dma_semaphore, #tpu.memory_space<semaphore_mem>>)
    %dma_wait3A_510 = arith.constant 0 : i32
    %dma_wait3A_511 = arith.constant 0 : i32
    %dma_wait3A_512 = tpu.memref_slice %arg7[%dma_wait3A_510, %dma_wait3A_511] : memref<4x128xi32, #tpu.memory_space<vmem>> -> memref<1x128xi32, #tpu.memory_space<vmem>>
    %dma_wait3A_513 = tpu.memref_squeeze %dma_wait3A_512 : memref<1x128xi32, #tpu.memory_space<vmem>> -> memref<128xi32, #tpu.memory_space<vmem>>
    %dma_wait3A_514 = arith.constant 0 : i32
    %dma_wait3A_515 = arith.constant 0 : i32
    %dma_wait3A_516 = tpu.memref_slice %arg2[%dma_wait3A_514, %dma_wait3A_515] : memref<20000x128xf32, #tpu.memory_space<hbm>> -> memref<20000x128xf32, #tpu.memory_space<hbm>>
    tpu.wait_indirect_dma semaphore(%arg16 : memref<!tpu.dma_semaphore, #tpu.memory_space<semaphore_mem>>) src(%dma_wait3A_516 : memref<20000x128xf32, #tpu.memory_space<hbm>>) dst(%arg9 : memref<128x128xf32, #tpu.memory_space<vmem>>)
    %dma_start3A_517 = arith.constant 0 : i32
    %dma_start3A_518 = arith.constant 0 : i32
    %dma_start3A_519 = tpu.memref_slice %arg8[%dma_start3A_517, %dma_start3A_518] : memref<4x128xi32, #tpu.memory_space<vmem>> -> memref<1x128xi32, #tpu.memory_space<vmem>>
    %dma_start3A_520 = tpu.memref_squeeze %dma_start3A_519 : memref<1x128xi32, #tpu.memory_space<vmem>> -> memref<128xi32, #tpu.memory_space<vmem>>
    %dma_start3A_521 = arith.constant 0 : i32
    %dma_start3A_522 = arith.constant 0 : i32
    %dma_start3A_523 = tpu.memref_slice %arg11[%dma_start3A_521, %dma_start3A_522] : memref<10240x128xf32, #tpu.memory_space<vmem_shared>> -> memref<10240x128xf32, #tpu.memory_space<vmem_shared>>
    tpu.enqueue_indirect_dma source(%arg9 : memref<128x128xf32, #tpu.memory_space<vmem>>) target(%dma_start3A_523 : memref<10240x128xf32, #tpu.memory_space<vmem_shared>>) offsets(%dma_start3A_520 : memref<128xi32, #tpu.memory_space<vmem>>) semaphore(%arg18 : memref<!tpu.dma_semaphore, #tpu.memory_space<semaphore_mem>>) {add = true}
    %add3A_524 = arith.constant 1264 : i32
    %add3A_525 = arith.addi %add3A_524, %arg1 : i32
    %dma_start3A_526 = arith.constant 3 : i32
    %dma_start3A_527 = arith.constant 0 : i32
    %dma_start3A_528 = tpu.memref_slice %arg7[%dma_start3A_526, %dma_start3A_527] : memref<4x128xi32, #tpu.memory_space<vmem>> -> memref<1x128xi32, #tpu.memory_space<vmem>>
    %dma_start3A_529 = tpu.memref_squeeze %dma_start3A_528 : memref<1x128xi32, #tpu.memory_space<vmem>> -> memref<128xi32, #tpu.memory_space<vmem>>
    %dma_start3A_530 = arith.constant 0 : i32
    %dma_start3A_531 = tpu.memref_slice %arg3[%arg0, %add3A_525, %dma_start3A_530] : memref<2x1280x128xi32, #tpu.memory_space<hbm>> -> memref<1x1x128xi32, #tpu.memory_space<hbm>>
    %dma_start3A_532 = tpu.memref_squeeze %dma_start3A_531 : memref<1x1x128xi32, #tpu.memory_space<hbm>> -> memref<128xi32, #tpu.memory_space<hbm>>
    %dma_start3A_533 = arith.constant 0 : i32
    %dma_start3A_534 = tpu.memref_slice %arg7[%dma_start3A_526, %dma_start3A_533] : memref<4x128xi32, #tpu.memory_space<vmem>> -> memref<1x128xi32, #tpu.memory_space<vmem>>
    %dma_start3A_535 = tpu.memref_squeeze %dma_start3A_534 : memref<1x128xi32, #tpu.memory_space<vmem>> -> memref<128xi32, #tpu.memory_space<vmem>>
    %dma_start3A_536 = arith.constant 0 : i32
    %dma_start3A_537 = tpu.memref_slice %arg3[%arg0, %add3A_525, %dma_start3A_536] : memref<2x1280x128xi32, #tpu.memory_space<hbm>> -> memref<1x1x128xi32, #tpu.memory_space<hbm>>
    %dma_start3A_538 = tpu.memref_squeeze %dma_start3A_537 : memref<1x1x128xi32, #tpu.memory_space<hbm>> -> memref<128xi32, #tpu.memory_space<hbm>>
    tpu.enqueue_dma source(%dma_start3A_538 : memref<128xi32, #tpu.memory_space<hbm>>) target(%dma_start3A_535 : memref<128xi32, #tpu.memory_space<vmem>>) target_semaphore(%arg15 : memref<!tpu.dma_semaphore, #tpu.memory_space<semaphore_mem>>)
    %dma_start3A_539 = arith.constant 3 : i32
    %dma_start3A_540 = arith.constant 0 : i32
    %dma_start3A_541 = tpu.memref_slice %arg8[%dma_start3A_539, %dma_start3A_540] : memref<4x128xi32, #tpu.memory_space<vmem>> -> memref<1x128xi32, #tpu.memory_space<vmem>>
    %dma_start3A_542 = tpu.memref_squeeze %dma_start3A_541 : memref<1x128xi32, #tpu.memory_space<vmem>> -> memref<128xi32, #tpu.memory_space<vmem>>
    %dma_start3A_543 = arith.constant 0 : i32
    %dma_start3A_544 = tpu.memref_slice %arg4[%add3A_525, %dma_start3A_543] : memref<1280x128xi32, #tpu.memory_space<hbm>> -> memref<1x128xi32, #tpu.memory_space<hbm>>
    %dma_start3A_545 = tpu.memref_squeeze %dma_start3A_544 : memref<1x128xi32, #tpu.memory_space<hbm>> -> memref<128xi32, #tpu.memory_space<hbm>>
    %dma_start3A_546 = arith.constant 0 : i32
    %dma_start3A_547 = tpu.memref_slice %arg8[%dma_start3A_539, %dma_start3A_546] : memref<4x128xi32, #tpu.memory_space<vmem>> -> memref<1x128xi32, #tpu.memory_space<vmem>>
    %dma_start3A_548 = tpu.memref_squeeze %dma_start3A_547 : memref<1x128xi32, #tpu.memory_space<vmem>> -> memref<128xi32, #tpu.memory_space<vmem>>
    %dma_start3A_549 = arith.constant 0 : i32
    %dma_start3A_550 = tpu.memref_slice %arg4[%add3A_525, %dma_start3A_549] : memref<1280x128xi32, #tpu.memory_space<hbm>> -> memref<1x128xi32, #tpu.memory_space<hbm>>
    %dma_start3A_551 = tpu.memref_squeeze %dma_start3A_550 : memref<1x128xi32, #tpu.memory_space<hbm>> -> memref<128xi32, #tpu.memory_space<hbm>>
    tpu.enqueue_dma source(%dma_start3A_551 : memref<128xi32, #tpu.memory_space<hbm>>) target(%dma_start3A_548 : memref<128xi32, #tpu.memory_space<vmem>>) target_semaphore(%arg15 : memref<!tpu.dma_semaphore, #tpu.memory_space<semaphore_mem>>)
    %dma_wait3A_552 = arith.constant 0 : i32
    %dma_wait3A_553 = arith.constant 0 : i32
    %dma_wait3A_554 = tpu.memref_slice %arg8[%dma_wait3A_552, %dma_wait3A_553] : memref<4x128xi32, #tpu.memory_space<vmem>> -> memref<1x128xi32, #tpu.memory_space<vmem>>
    %dma_wait3A_555 = tpu.memref_squeeze %dma_wait3A_554 : memref<1x128xi32, #tpu.memory_space<vmem>> -> memref<128xi32, #tpu.memory_space<vmem>>
    %dma_wait3A_556 = arith.constant 0 : i32
    %dma_wait3A_557 = arith.constant 0 : i32
    %dma_wait3A_558 = tpu.memref_slice %arg11[%dma_wait3A_556, %dma_wait3A_557] : memref<10240x128xf32, #tpu.memory_space<vmem_shared>> -> memref<10240x128xf32, #tpu.memory_space<vmem_shared>>
    tpu.wait_indirect_dma semaphore(%arg18 : memref<!tpu.dma_semaphore, #tpu.memory_space<semaphore_mem>>) src(%arg9 : memref<128x128xf32, #tpu.memory_space<vmem>>) dst(%dma_wait3A_558 : memref<10240x128xf32, #tpu.memory_space<vmem_shared>>)
    %add3A_559 = arith.constant 1248 : i32
    %add3A_560 = arith.addi %add3A_559, %arg1 : i32
    %dma_wait3A_561 = arith.constant 2 : i32
    %dma_wait3A_562 = arith.constant 0 : i32
    %dma_wait3A_563 = tpu.memref_slice %arg7[%dma_wait3A_561, %dma_wait3A_562] : memref<4x128xi32, #tpu.memory_space<vmem>> -> memref<1x128xi32, #tpu.memory_space<vmem>>
    %dma_wait3A_564 = tpu.memref_squeeze %dma_wait3A_563 : memref<1x128xi32, #tpu.memory_space<vmem>> -> memref<128xi32, #tpu.memory_space<vmem>>
    %dma_wait3A_565 = arith.constant 0 : i32
    %dma_wait3A_566 = tpu.memref_slice %arg3[%arg0, %add3A_560, %dma_wait3A_565] : memref<2x1280x128xi32, #tpu.memory_space<hbm>> -> memref<1x1x128xi32, #tpu.memory_space<hbm>>
    %dma_wait3A_567 = tpu.memref_squeeze %dma_wait3A_566 : memref<1x1x128xi32, #tpu.memory_space<hbm>> -> memref<128xi32, #tpu.memory_space<hbm>>
    %dma_wait3A_568 = arith.constant 0 : i32
    %dma_wait3A_569 = tpu.memref_slice %arg7[%dma_wait3A_561, %dma_wait3A_568] : memref<4x128xi32, #tpu.memory_space<vmem>> -> memref<1x128xi32, #tpu.memory_space<vmem>>
    %dma_wait3A_570 = tpu.memref_squeeze %dma_wait3A_569 : memref<1x128xi32, #tpu.memory_space<vmem>> -> memref<128xi32, #tpu.memory_space<vmem>>
    %dma_wait3A_571 = arith.constant 0 : i32
    %dma_wait3A_572 = tpu.memref_slice %arg3[%arg0, %add3A_560, %dma_wait3A_571] : memref<2x1280x128xi32, #tpu.memory_space<hbm>> -> memref<1x1x128xi32, #tpu.memory_space<hbm>>
    %dma_wait3A_573 = tpu.memref_squeeze %dma_wait3A_572 : memref<1x1x128xi32, #tpu.memory_space<hbm>> -> memref<128xi32, #tpu.memory_space<hbm>>
    tpu.wait_dma2 semaphore(%arg14 : memref<!tpu.dma_semaphore, #tpu.memory_space<semaphore_mem>>) src(%dma_wait3A_573 : memref<128xi32, #tpu.memory_space<hbm>>) dst(%dma_wait3A_570 : memref<128xi32, #tpu.memory_space<vmem>>)
    %dma_wait3A_574 = arith.constant 2 : i32
    %dma_wait3A_575 = arith.constant 0 : i32
    %dma_wait3A_576 = tpu.memref_slice %arg8[%dma_wait3A_574, %dma_wait3A_575] : memref<4x128xi32, #tpu.memory_space<vmem>> -> memref<1x128xi32, #tpu.memory_space<vmem>>
    %dma_wait3A_577 = tpu.memref_squeeze %dma_wait3A_576 : memref<1x128xi32, #tpu.memory_space<vmem>> -> memref<128xi32, #tpu.memory_space<vmem>>
    %dma_wait3A_578 = arith.constant 0 : i32
    %dma_wait3A_579 = tpu.memref_slice %arg4[%add3A_560, %dma_wait3A_578] : memref<1280x128xi32, #tpu.memory_space<hbm>> -> memref<1x128xi32, #tpu.memory_space<hbm>>
    %dma_wait3A_580 = tpu.memref_squeeze %dma_wait3A_579 : memref<1x128xi32, #tpu.memory_space<hbm>> -> memref<128xi32, #tpu.memory_space<hbm>>
    %dma_wait3A_581 = arith.constant 0 : i32
    %dma_wait3A_582 = tpu.memref_slice %arg8[%dma_wait3A_574, %dma_wait3A_581] : memref<4x128xi32, #tpu.memory_space<vmem>> -> memref<1x128xi32, #tpu.memory_space<vmem>>
    %dma_wait3A_583 = tpu.memref_squeeze %dma_wait3A_582 : memref<1x128xi32, #tpu.memory_space<vmem>> -> memref<128xi32, #tpu.memory_space<vmem>>
    %dma_wait3A_584 = arith.constant 0 : i32
    %dma_wait3A_585 = tpu.memref_slice %arg4[%add3A_560, %dma_wait3A_584] : memref<1280x128xi32, #tpu.memory_space<hbm>> -> memref<1x128xi32, #tpu.memory_space<hbm>>
    %dma_wait3A_586 = tpu.memref_squeeze %dma_wait3A_585 : memref<1x128xi32, #tpu.memory_space<hbm>> -> memref<128xi32, #tpu.memory_space<hbm>>
    tpu.wait_dma2 semaphore(%arg14 : memref<!tpu.dma_semaphore, #tpu.memory_space<semaphore_mem>>) src(%dma_wait3A_586 : memref<128xi32, #tpu.memory_space<hbm>>) dst(%dma_wait3A_583 : memref<128xi32, #tpu.memory_space<vmem>>)
    %dma_start3A_587 = arith.constant 2 : i32
    %dma_start3A_588 = arith.constant 0 : i32
    %dma_start3A_589 = tpu.memref_slice %arg7[%dma_start3A_587, %dma_start3A_588] : memref<4x128xi32, #tpu.memory_space<vmem>> -> memref<1x128xi32, #tpu.memory_space<vmem>>
    %dma_start3A_590 = tpu.memref_squeeze %dma_start3A_589 : memref<1x128xi32, #tpu.memory_space<vmem>> -> memref<128xi32, #tpu.memory_space<vmem>>
    %dma_start3A_591 = arith.constant 0 : i32
    %dma_start3A_592 = arith.constant 0 : i32
    %dma_start3A_593 = tpu.memref_slice %arg2[%dma_start3A_591, %dma_start3A_592] : memref<20000x128xf32, #tpu.memory_space<hbm>> -> memref<20000x128xf32, #tpu.memory_space<hbm>>
    tpu.enqueue_indirect_dma source(%dma_start3A_593 : memref<20000x128xf32, #tpu.memory_space<hbm>>) target(%arg9 : memref<128x128xf32, #tpu.memory_space<vmem>>) offsets(%dma_start3A_590 : memref<128xi32, #tpu.memory_space<vmem>>) semaphore(%arg16 : memref<!tpu.dma_semaphore, #tpu.memory_space<semaphore_mem>>)
    %dma_wait3A_594 = arith.constant 1 : i32
    %dma_wait3A_595 = arith.constant 0 : i32
    %dma_wait3A_596 = tpu.memref_slice %arg7[%dma_wait3A_594, %dma_wait3A_595] : memref<4x128xi32, #tpu.memory_space<vmem>> -> memref<1x128xi32, #tpu.memory_space<vmem>>
    %dma_wait3A_597 = tpu.memref_squeeze %dma_wait3A_596 : memref<1x128xi32, #tpu.memory_space<vmem>> -> memref<128xi32, #tpu.memory_space<vmem>>
    %dma_wait3A_598 = arith.constant 0 : i32
    %dma_wait3A_599 = arith.constant 0 : i32
    %dma_wait3A_600 = tpu.memref_slice %arg2[%dma_wait3A_598, %dma_wait3A_599] : memref<20000x128xf32, #tpu.memory_space<hbm>> -> memref<20000x128xf32, #tpu.memory_space<hbm>>
    tpu.wait_indirect_dma semaphore(%arg17 : memref<!tpu.dma_semaphore, #tpu.memory_space<semaphore_mem>>) src(%dma_wait3A_600 : memref<20000x128xf32, #tpu.memory_space<hbm>>) dst(%arg10 : memref<128x128xf32, #tpu.memory_space<vmem>>)
    %dma_start3A_601 = arith.constant 1 : i32
    %dma_start3A_602 = arith.constant 0 : i32
    %dma_start3A_603 = tpu.memref_slice %arg8[%dma_start3A_601, %dma_start3A_602] : memref<4x128xi32, #tpu.memory_space<vmem>> -> memref<1x128xi32, #tpu.memory_space<vmem>>
    %dma_start3A_604 = tpu.memref_squeeze %dma_start3A_603 : memref<1x128xi32, #tpu.memory_space<vmem>> -> memref<128xi32, #tpu.memory_space<vmem>>
    %dma_start3A_605 = arith.constant 0 : i32
    %dma_start3A_606 = arith.constant 0 : i32
    %dma_start3A_607 = tpu.memref_slice %arg11[%dma_start3A_605, %dma_start3A_606] : memref<10240x128xf32, #tpu.memory_space<vmem_shared>> -> memref<10240x128xf32, #tpu.memory_space<vmem_shared>>
    tpu.enqueue_indirect_dma source(%arg10 : memref<128x128xf32, #tpu.memory_space<vmem>>) target(%dma_start3A_607 : memref<10240x128xf32, #tpu.memory_space<vmem_shared>>) offsets(%dma_start3A_604 : memref<128xi32, #tpu.memory_space<vmem>>) semaphore(%arg19 : memref<!tpu.dma_semaphore, #tpu.memory_space<semaphore_mem>>) {add = true}
    %dma_wait3A_608 = arith.constant 1 : i32
    %dma_wait3A_609 = arith.constant 0 : i32
    %dma_wait3A_610 = tpu.memref_slice %arg8[%dma_wait3A_608, %dma_wait3A_609] : memref<4x128xi32, #tpu.memory_space<vmem>> -> memref<1x128xi32, #tpu.memory_space<vmem>>
    %dma_wait3A_611 = tpu.memref_squeeze %dma_wait3A_610 : memref<1x128xi32, #tpu.memory_space<vmem>> -> memref<128xi32, #tpu.memory_space<vmem>>
    %dma_wait3A_612 = arith.constant 0 : i32
    %dma_wait3A_613 = arith.constant 0 : i32
    %dma_wait3A_614 = tpu.memref_slice %arg11[%dma_wait3A_612, %dma_wait3A_613] : memref<10240x128xf32, #tpu.memory_space<vmem_shared>> -> memref<10240x128xf32, #tpu.memory_space<vmem_shared>>
    tpu.wait_indirect_dma semaphore(%arg19 : memref<!tpu.dma_semaphore, #tpu.memory_space<semaphore_mem>>) src(%arg10 : memref<128x128xf32, #tpu.memory_space<vmem>>) dst(%dma_wait3A_614 : memref<10240x128xf32, #tpu.memory_space<vmem_shared>>)
    %add3A_615 = arith.constant 1264 : i32
    %add3A_616 = arith.addi %add3A_615, %arg1 : i32
    %dma_wait3A_617 = arith.constant 3 : i32
    %dma_wait3A_618 = arith.constant 0 : i32
    %dma_wait3A_619 = tpu.memref_slice %arg7[%dma_wait3A_617, %dma_wait3A_618] : memref<4x128xi32, #tpu.memory_space<vmem>> -> memref<1x128xi32, #tpu.memory_space<vmem>>
    %dma_wait3A_620 = tpu.memref_squeeze %dma_wait3A_619 : memref<1x128xi32, #tpu.memory_space<vmem>> -> memref<128xi32, #tpu.memory_space<vmem>>
    %dma_wait3A_621 = arith.constant 0 : i32
    %dma_wait3A_622 = tpu.memref_slice %arg3[%arg0, %add3A_616, %dma_wait3A_621] : memref<2x1280x128xi32, #tpu.memory_space<hbm>> -> memref<1x1x128xi32, #tpu.memory_space<hbm>>
    %dma_wait3A_623 = tpu.memref_squeeze %dma_wait3A_622 : memref<1x1x128xi32, #tpu.memory_space<hbm>> -> memref<128xi32, #tpu.memory_space<hbm>>
    %dma_wait3A_624 = arith.constant 0 : i32
    %dma_wait3A_625 = tpu.memref_slice %arg7[%dma_wait3A_617, %dma_wait3A_624] : memref<4x128xi32, #tpu.memory_space<vmem>> -> memref<1x128xi32, #tpu.memory_space<vmem>>
    %dma_wait3A_626 = tpu.memref_squeeze %dma_wait3A_625 : memref<1x128xi32, #tpu.memory_space<vmem>> -> memref<128xi32, #tpu.memory_space<vmem>>
    %dma_wait3A_627 = arith.constant 0 : i32
    %dma_wait3A_628 = tpu.memref_slice %arg3[%arg0, %add3A_616, %dma_wait3A_627] : memref<2x1280x128xi32, #tpu.memory_space<hbm>> -> memref<1x1x128xi32, #tpu.memory_space<hbm>>
    %dma_wait3A_629 = tpu.memref_squeeze %dma_wait3A_628 : memref<1x1x128xi32, #tpu.memory_space<hbm>> -> memref<128xi32, #tpu.memory_space<hbm>>
    tpu.wait_dma2 semaphore(%arg15 : memref<!tpu.dma_semaphore, #tpu.memory_space<semaphore_mem>>) src(%dma_wait3A_629 : memref<128xi32, #tpu.memory_space<hbm>>) dst(%dma_wait3A_626 : memref<128xi32, #tpu.memory_space<vmem>>)
    %dma_wait3A_630 = arith.constant 3 : i32
    %dma_wait3A_631 = arith.constant 0 : i32
    %dma_wait3A_632 = tpu.memref_slice %arg8[%dma_wait3A_630, %dma_wait3A_631] : memref<4x128xi32, #tpu.memory_space<vmem>> -> memref<1x128xi32, #tpu.memory_space<vmem>>
    %dma_wait3A_633 = tpu.memref_squeeze %dma_wait3A_632 : memref<1x128xi32, #tpu.memory_space<vmem>> -> memref<128xi32, #tpu.memory_space<vmem>>
    %dma_wait3A_634 = arith.constant 0 : i32
    %dma_wait3A_635 = tpu.memref_slice %arg4[%add3A_616, %dma_wait3A_634] : memref<1280x128xi32, #tpu.memory_space<hbm>> -> memref<1x128xi32, #tpu.memory_space<hbm>>
    %dma_wait3A_636 = tpu.memref_squeeze %dma_wait3A_635 : memref<1x128xi32, #tpu.memory_space<hbm>> -> memref<128xi32, #tpu.memory_space<hbm>>
    %dma_wait3A_637 = arith.constant 0 : i32
    %dma_wait3A_638 = tpu.memref_slice %arg8[%dma_wait3A_630, %dma_wait3A_637] : memref<4x128xi32, #tpu.memory_space<vmem>> -> memref<1x128xi32, #tpu.memory_space<vmem>>
    %dma_wait3A_639 = tpu.memref_squeeze %dma_wait3A_638 : memref<1x128xi32, #tpu.memory_space<vmem>> -> memref<128xi32, #tpu.memory_space<vmem>>
    %dma_wait3A_640 = arith.constant 0 : i32
    %dma_wait3A_641 = tpu.memref_slice %arg4[%add3A_616, %dma_wait3A_640] : memref<1280x128xi32, #tpu.memory_space<hbm>> -> memref<1x128xi32, #tpu.memory_space<hbm>>
    %dma_wait3A_642 = tpu.memref_squeeze %dma_wait3A_641 : memref<1x128xi32, #tpu.memory_space<hbm>> -> memref<128xi32, #tpu.memory_space<hbm>>
    tpu.wait_dma2 semaphore(%arg15 : memref<!tpu.dma_semaphore, #tpu.memory_space<semaphore_mem>>) src(%dma_wait3A_642 : memref<128xi32, #tpu.memory_space<hbm>>) dst(%dma_wait3A_639 : memref<128xi32, #tpu.memory_space<vmem>>)
    %dma_start3A_643 = arith.constant 3 : i32
    %dma_start3A_644 = arith.constant 0 : i32
    %dma_start3A_645 = tpu.memref_slice %arg7[%dma_start3A_643, %dma_start3A_644] : memref<4x128xi32, #tpu.memory_space<vmem>> -> memref<1x128xi32, #tpu.memory_space<vmem>>
    %dma_start3A_646 = tpu.memref_squeeze %dma_start3A_645 : memref<1x128xi32, #tpu.memory_space<vmem>> -> memref<128xi32, #tpu.memory_space<vmem>>
    %dma_start3A_647 = arith.constant 0 : i32
    %dma_start3A_648 = arith.constant 0 : i32
    %dma_start3A_649 = tpu.memref_slice %arg2[%dma_start3A_647, %dma_start3A_648] : memref<20000x128xf32, #tpu.memory_space<hbm>> -> memref<20000x128xf32, #tpu.memory_space<hbm>>
    tpu.enqueue_indirect_dma source(%dma_start3A_649 : memref<20000x128xf32, #tpu.memory_space<hbm>>) target(%arg10 : memref<128x128xf32, #tpu.memory_space<vmem>>) offsets(%dma_start3A_646 : memref<128xi32, #tpu.memory_space<vmem>>) semaphore(%arg17 : memref<!tpu.dma_semaphore, #tpu.memory_space<semaphore_mem>>)
    %dma_wait3A_650 = arith.constant 2 : i32
    %dma_wait3A_651 = arith.constant 0 : i32
    %dma_wait3A_652 = tpu.memref_slice %arg7[%dma_wait3A_650, %dma_wait3A_651] : memref<4x128xi32, #tpu.memory_space<vmem>> -> memref<1x128xi32, #tpu.memory_space<vmem>>
    %dma_wait3A_653 = tpu.memref_squeeze %dma_wait3A_652 : memref<1x128xi32, #tpu.memory_space<vmem>> -> memref<128xi32, #tpu.memory_space<vmem>>
    %dma_wait3A_654 = arith.constant 0 : i32
    %dma_wait3A_655 = arith.constant 0 : i32
    %dma_wait3A_656 = tpu.memref_slice %arg2[%dma_wait3A_654, %dma_wait3A_655] : memref<20000x128xf32, #tpu.memory_space<hbm>> -> memref<20000x128xf32, #tpu.memory_space<hbm>>
    tpu.wait_indirect_dma semaphore(%arg16 : memref<!tpu.dma_semaphore, #tpu.memory_space<semaphore_mem>>) src(%dma_wait3A_656 : memref<20000x128xf32, #tpu.memory_space<hbm>>) dst(%arg9 : memref<128x128xf32, #tpu.memory_space<vmem>>)
    %dma_start3A_657 = arith.constant 2 : i32
    %dma_start3A_658 = arith.constant 0 : i32
    %dma_start3A_659 = tpu.memref_slice %arg8[%dma_start3A_657, %dma_start3A_658] : memref<4x128xi32, #tpu.memory_space<vmem>> -> memref<1x128xi32, #tpu.memory_space<vmem>>
    %dma_start3A_660 = tpu.memref_squeeze %dma_start3A_659 : memref<1x128xi32, #tpu.memory_space<vmem>> -> memref<128xi32, #tpu.memory_space<vmem>>
    %dma_start3A_661 = arith.constant 0 : i32
    %dma_start3A_662 = arith.constant 0 : i32
    %dma_start3A_663 = tpu.memref_slice %arg11[%dma_start3A_661, %dma_start3A_662] : memref<10240x128xf32, #tpu.memory_space<vmem_shared>> -> memref<10240x128xf32, #tpu.memory_space<vmem_shared>>
    tpu.enqueue_indirect_dma source(%arg9 : memref<128x128xf32, #tpu.memory_space<vmem>>) target(%dma_start3A_663 : memref<10240x128xf32, #tpu.memory_space<vmem_shared>>) offsets(%dma_start3A_660 : memref<128xi32, #tpu.memory_space<vmem>>) semaphore(%arg18 : memref<!tpu.dma_semaphore, #tpu.memory_space<semaphore_mem>>) {add = true}
    %dma_wait3A_664 = arith.constant 2 : i32
    %dma_wait3A_665 = arith.constant 0 : i32
    %dma_wait3A_666 = tpu.memref_slice %arg8[%dma_wait3A_664, %dma_wait3A_665] : memref<4x128xi32, #tpu.memory_space<vmem>> -> memref<1x128xi32, #tpu.memory_space<vmem>>
    %dma_wait3A_667 = tpu.memref_squeeze %dma_wait3A_666 : memref<1x128xi32, #tpu.memory_space<vmem>> -> memref<128xi32, #tpu.memory_space<vmem>>
    %dma_wait3A_668 = arith.constant 0 : i32
    %dma_wait3A_669 = arith.constant 0 : i32
    %dma_wait3A_670 = tpu.memref_slice %arg11[%dma_wait3A_668, %dma_wait3A_669] : memref<10240x128xf32, #tpu.memory_space<vmem_shared>> -> memref<10240x128xf32, #tpu.memory_space<vmem_shared>>
    tpu.wait_indirect_dma semaphore(%arg18 : memref<!tpu.dma_semaphore, #tpu.memory_space<semaphore_mem>>) src(%arg9 : memref<128x128xf32, #tpu.memory_space<vmem>>) dst(%dma_wait3A_670 : memref<10240x128xf32, #tpu.memory_space<vmem_shared>>)
    %dma_wait3A_671 = arith.constant 3 : i32
    %dma_wait3A_672 = arith.constant 0 : i32
    %dma_wait3A_673 = tpu.memref_slice %arg7[%dma_wait3A_671, %dma_wait3A_672] : memref<4x128xi32, #tpu.memory_space<vmem>> -> memref<1x128xi32, #tpu.memory_space<vmem>>
    %dma_wait3A_674 = tpu.memref_squeeze %dma_wait3A_673 : memref<1x128xi32, #tpu.memory_space<vmem>> -> memref<128xi32, #tpu.memory_space<vmem>>
    %dma_wait3A_675 = arith.constant 0 : i32
    %dma_wait3A_676 = arith.constant 0 : i32
    %dma_wait3A_677 = tpu.memref_slice %arg2[%dma_wait3A_675, %dma_wait3A_676] : memref<20000x128xf32, #tpu.memory_space<hbm>> -> memref<20000x128xf32, #tpu.memory_space<hbm>>
    tpu.wait_indirect_dma semaphore(%arg17 : memref<!tpu.dma_semaphore, #tpu.memory_space<semaphore_mem>>) src(%dma_wait3A_677 : memref<20000x128xf32, #tpu.memory_space<hbm>>) dst(%arg10 : memref<128x128xf32, #tpu.memory_space<vmem>>)
    %dma_start3A_678 = arith.constant 3 : i32
    %dma_start3A_679 = arith.constant 0 : i32
    %dma_start3A_680 = tpu.memref_slice %arg8[%dma_start3A_678, %dma_start3A_679] : memref<4x128xi32, #tpu.memory_space<vmem>> -> memref<1x128xi32, #tpu.memory_space<vmem>>
    %dma_start3A_681 = tpu.memref_squeeze %dma_start3A_680 : memref<1x128xi32, #tpu.memory_space<vmem>> -> memref<128xi32, #tpu.memory_space<vmem>>
    %dma_start3A_682 = arith.constant 0 : i32
    %dma_start3A_683 = arith.constant 0 : i32
    %dma_start3A_684 = tpu.memref_slice %arg11[%dma_start3A_682, %dma_start3A_683] : memref<10240x128xf32, #tpu.memory_space<vmem_shared>> -> memref<10240x128xf32, #tpu.memory_space<vmem_shared>>
    tpu.enqueue_indirect_dma source(%arg10 : memref<128x128xf32, #tpu.memory_space<vmem>>) target(%dma_start3A_684 : memref<10240x128xf32, #tpu.memory_space<vmem_shared>>) offsets(%dma_start3A_681 : memref<128xi32, #tpu.memory_space<vmem>>) semaphore(%arg19 : memref<!tpu.dma_semaphore, #tpu.memory_space<semaphore_mem>>) {add = true}
    %dma_wait3A_685 = arith.constant 3 : i32
    %dma_wait3A_686 = arith.constant 0 : i32
    %dma_wait3A_687 = tpu.memref_slice %arg8[%dma_wait3A_685, %dma_wait3A_686] : memref<4x128xi32, #tpu.memory_space<vmem>> -> memref<1x128xi32, #tpu.memory_space<vmem>>
    %dma_wait3A_688 = tpu.memref_squeeze %dma_wait3A_687 : memref<1x128xi32, #tpu.memory_space<vmem>> -> memref<128xi32, #tpu.memory_space<vmem>>
    %dma_wait3A_689 = arith.constant 0 : i32
    %dma_wait3A_690 = arith.constant 0 : i32
    %dma_wait3A_691 = tpu.memref_slice %arg11[%dma_wait3A_689, %dma_wait3A_690] : memref<10240x128xf32, #tpu.memory_space<vmem_shared>> -> memref<10240x128xf32, #tpu.memory_space<vmem_shared>>
    tpu.wait_indirect_dma semaphore(%arg19 : memref<!tpu.dma_semaphore, #tpu.memory_space<semaphore_mem>>) src(%arg10 : memref<128x128xf32, #tpu.memory_space<vmem>>) dst(%dma_wait3A_691 : memref<10240x128xf32, #tpu.memory_space<vmem_shared>>)
    %barrier3A_692 = arith.constant 0 : index
    tpu.barrier barrier_id(%barrier3A_692)
    %mul3A_693 = arith.constant 640 : i32
    %mul3A_694 = arith.muli %arg1, %mul3A_693 : i32
    %mul3A_695 = arith.constant 10240 : i32
    %mul3A_696 = arith.muli %arg0, %mul3A_695 : i32
    %mul3A_697 = arith.constant 640 : i32
    %mul3A_698 = arith.muli %arg1, %mul3A_697 : i32
    %add3A_699 = arith.addi %mul3A_696, %mul3A_698 : i32
    "tpu.region"() ({
      %run_scoped3A = tpu.sem_alloc : memref<!tpu.dma_semaphore, #tpu.memory_space<semaphore_mem>>
      %dma_start3A_700 = arith.constant 0 : i32
      %dma_start3A_701 = tpu.memref_slice %arg6[%add3A_699, %dma_start3A_700] : memref<20480x128xf32, #tpu.memory_space<hbm>> -> memref<640x128xf32, #tpu.memory_space<hbm>>
      %dma_start3A_702 = arith.constant 0 : i32
      %dma_start3A_703 = tpu.memref_slice %arg11[%mul3A_694, %dma_start3A_702] : memref<10240x128xf32, #tpu.memory_space<vmem_shared>> -> memref<640x128xf32, #tpu.memory_space<vmem_shared>>
      tpu.enqueue_dma source(%dma_start3A_703 : memref<640x128xf32, #tpu.memory_space<vmem_shared>>) target(%dma_start3A_701 : memref<640x128xf32, #tpu.memory_space<hbm>>) target_semaphore(%run_scoped3A : memref<!tpu.dma_semaphore, #tpu.memory_space<semaphore_mem>>)
      %dma_wait3A_704 = arith.constant 0 : i32
      %dma_wait3A_705 = tpu.memref_slice %arg6[%add3A_699, %dma_wait3A_704] : memref<20480x128xf32, #tpu.memory_space<hbm>> -> memref<640x128xf32, #tpu.memory_space<hbm>>
      %dma_wait3A_706 = arith.constant 0 : i32
      %dma_wait3A_707 = tpu.memref_slice %arg11[%mul3A_694, %dma_wait3A_706] : memref<10240x128xf32, #tpu.memory_space<vmem_shared>> -> memref<640x128xf32, #tpu.memory_space<vmem_shared>>
      tpu.wait_dma2 semaphore(%run_scoped3A : memref<!tpu.dma_semaphore, #tpu.memory_space<semaphore_mem>>) src(%dma_wait3A_707 : memref<640x128xf32, #tpu.memory_space<vmem_shared>>) dst(%dma_wait3A_705 : memref<640x128xf32, #tpu.memory_space<hbm>>)
      tpu.yield
    }) : () -> ()
    return
  }
}

module attributes {stable_mosaic.version = 14 : i64} {
  func.func @_tc_finish_body(%arg0: i32, %arg1: memref<1000x128xf32, #tpu.memory_space<vmem>>, %arg2: memref<1000x128xf32, #tpu.memory_space<vmem>>, %arg3: memref<1000x256xf32, #tpu.memory_space<vmem>>, %arg4: memref<128x256xf32, #tpu.memory_space<vmem>>, %arg5: memref<128x256xf32, #tpu.memory_space<vmem>>, %arg6: memref<256x256xf32, #tpu.memory_space<vmem>>, %arg7: memref<1x256xf32, #tpu.memory_space<vmem>>, %arg8: memref<1000x256xf32, #tpu.memory_space<vmem>>) attributes {dimension_semantics = [#tpu.dimension_semantics<arbitrary>], iteration_bounds = array<i64: 10>, scalar_prefetch = 0 : i64, scratch_operands = 0 : i64, tpu.core_type = #tpu.core_type<tc>, window_params = [{transform_indices = @transform_0, window_bounds = array<i64: 1000, 128>}, {transform_indices = @transform_1, window_bounds = array<i64: 1000, 128>}, {transform_indices = @transform_2, window_bounds = array<i64: 1000, 256>}, {pipeline_mode = #tpu.pipeline_mode<synchronous>, transform_indices = @transform_3, window_bounds = array<i64: 128, 256>}, {pipeline_mode = #tpu.pipeline_mode<synchronous>, transform_indices = @transform_4, window_bounds = array<i64: 128, 256>}, {pipeline_mode = #tpu.pipeline_mode<synchronous>, transform_indices = @transform_5, window_bounds = array<i64: 256, 256>}, {pipeline_mode = #tpu.pipeline_mode<synchronous>, transform_indices = @transform_6, window_bounds = array<i64: 1, 256>}, {transform_indices = @transform_7, window_bounds = array<i64: 1000, 256>}]} {
    %get3A = arith.constant 0 : index
    %get3A_0 = arith.constant 0 : index
    %get3A_1 = vector.load %arg1[%get3A, %get3A_0] : memref<1000x128xf32, #tpu.memory_space<vmem>>, vector<1000x128xf32>
    %get3A_2 = arith.constant 0 : index
    %get3A_3 = arith.constant 0 : index
    %get3A_4 = vector.load %arg4[%get3A_2, %get3A_3] : memref<128x256xf32, #tpu.memory_space<vmem>>, vector<128x256xf32>
    %dot_general3A = arith.constant dense<0.000000e+00> : vector<1000x256xf32>
    %dot_general3A_5 = tpu.matmul %get3A_1, %get3A_4, %dot_general3A {dimension_numbers = #tpu.dot_dimension_numbers<[1], [0], [0], [1], [0, 0, 1, 1], [], []>, transpose_lhs_hint = false} : vector<1000x128xf32>, vector<128x256xf32>, vector<1000x256xf32> -> vector<1000x256xf32>
    %get3A_6 = arith.constant 0 : index
    %get3A_7 = arith.constant 0 : index
    %get3A_8 = vector.load %arg2[%get3A_6, %get3A_7] : memref<1000x128xf32, #tpu.memory_space<vmem>>, vector<1000x128xf32>
    %get3A_9 = arith.constant 0 : index
    %get3A_10 = arith.constant 0 : index
    %get3A_11 = vector.load %arg5[%get3A_9, %get3A_10] : memref<128x256xf32, #tpu.memory_space<vmem>>, vector<128x256xf32>
    %dot_general3A_12 = arith.constant dense<0.000000e+00> : vector<1000x256xf32>
    %dot_general3A_13 = tpu.matmul %get3A_8, %get3A_11, %dot_general3A_12 {dimension_numbers = #tpu.dot_dimension_numbers<[1], [0], [0], [1], [0, 0, 1, 1], [], []>, transpose_lhs_hint = false} : vector<1000x128xf32>, vector<128x256xf32>, vector<1000x256xf32> -> vector<1000x256xf32>
    %add3A = arith.addf %dot_general3A_5, %dot_general3A_13 : vector<1000x256xf32>
    %get3A_14 = arith.constant 0 : index
    %get3A_15 = arith.constant 0 : index
    %get3A_16 = vector.load %arg3[%get3A_14, %get3A_15] : memref<1000x256xf32, #tpu.memory_space<vmem>>, vector<1000x256xf32>
    %get3A_17 = arith.constant 0 : index
    %get3A_18 = arith.constant 0 : index
    %get3A_19 = vector.load %arg6[%get3A_17, %get3A_18] : memref<256x256xf32, #tpu.memory_space<vmem>>, vector<256x256xf32>
    %dot_general3A_20 = arith.constant dense<0.000000e+00> : vector<1000x256xf32>
    %dot_general3A_21 = tpu.matmul %get3A_16, %get3A_19, %dot_general3A_20 {dimension_numbers = #tpu.dot_dimension_numbers<[1], [0], [0], [1], [0, 0, 1, 1], [], []>, transpose_lhs_hint = false} : vector<1000x256xf32>, vector<256x256xf32>, vector<1000x256xf32> -> vector<1000x256xf32>
    %add3A_22 = arith.addf %add3A, %dot_general3A_21 : vector<1000x256xf32>
    %get3A_23 = arith.constant 0 : index
    %get3A_24 = arith.constant 0 : index
    %get3A_25 = vector.load %arg7[%get3A_23, %get3A_24] : memref<1x256xf32, #tpu.memory_space<vmem>>, vector<1x256xf32>
    %add3A_26 = vector.broadcast %get3A_25 : vector<1x256xf32> to vector<1000x256xf32>
    %add3A_27 = arith.addf %add3A_22, %add3A_26 : vector<1000x256xf32>
    %reduce_max3A = arith.constant dense<0xFF800000> : vector<1000xf32>
    %reduce_max3A_28 = vector.multi_reduction <maximumf>, %add3A_27, %reduce_max3A [1] : vector<1000x256xf32> to vector<1000xf32>
    %broadcast_in_dim3A = vector.shape_cast %reduce_max3A_28 : vector<1000xf32> to vector<1000x1xf32>
    %sub3A = vector.broadcast %broadcast_in_dim3A : vector<1000x1xf32> to vector<1000x256xf32>
    %sub3A_29 = arith.subf %add3A_27, %sub3A : vector<1000x256xf32>
    %exp3A = math.exp %sub3A_29 : vector<1000x256xf32>
    %reduce_sum3A = arith.constant dense<0.000000e+00> : vector<1000xf32>
    %reduce_sum3A_30 = vector.multi_reduction <add>, %exp3A, %reduce_sum3A [1] : vector<1000x256xf32> to vector<1000xf32>
    %broadcast_in_dim3A_31 = vector.shape_cast %reduce_sum3A_30 : vector<1000xf32> to vector<1000x1xf32>
    %log3A = math.log %broadcast_in_dim3A_31 : vector<1000x1xf32>
    %sub3A_32 = vector.broadcast %log3A : vector<1000x1xf32> to vector<1000x256xf32>
    %sub3A_33 = arith.subf %sub3A_29, %sub3A_32 : vector<1000x256xf32>
    %swap3A = arith.constant 0 : index
    %swap3A_34 = arith.constant 0 : index
    %swap3A_35 = vector.load %arg8[%swap3A, %swap3A_34] : memref<1000x256xf32, #tpu.memory_space<vmem>>, vector<1000x256xf32>
    tpu.vector_store %arg8[%swap3A, %swap3A_34], %sub3A_33 {strides = array<i32>} : memref<1000x256xf32, #tpu.memory_space<vmem>>, vector<1000x256xf32>,
    return
  }
  func.func @transform_0(%arg0: i32) -> (i32, i32) {
    %c0_i32 = arith.constant 0 : i32
    %c0_i32_0 = arith.constant 0 : i32
    return %arg0, %c0_i32 : i32, i32
  }
  func.func @transform_1(%arg0: i32) -> (i32, i32) {
    %c0_i32 = arith.constant 0 : i32
    %c0_i32_0 = arith.constant 0 : i32
    return %arg0, %c0_i32 : i32, i32
  }
  func.func @transform_2(%arg0: i32) -> (i32, i32) {
    %c0_i32 = arith.constant 0 : i32
    %c0_i32_0 = arith.constant 0 : i32
    return %arg0, %c0_i32 : i32, i32
  }
  func.func @transform_3(%arg0: i32) -> (i32, i32) {
    %c0_i32 = arith.constant 0 : i32
    %c0_i32_0 = arith.constant 0 : i32
    %c0_i32_1 = arith.constant 0 : i32
    return %c0_i32, %c0_i32_0 : i32, i32
  }
  func.func @transform_4(%arg0: i32) -> (i32, i32) {
    %c0_i32 = arith.constant 0 : i32
    %c0_i32_0 = arith.constant 0 : i32
    %c0_i32_1 = arith.constant 0 : i32
    return %c0_i32, %c0_i32_0 : i32, i32
  }
  func.func @transform_5(%arg0: i32) -> (i32, i32) {
    %c0_i32 = arith.constant 0 : i32
    %c0_i32_0 = arith.constant 0 : i32
    %c0_i32_1 = arith.constant 0 : i32
    return %c0_i32, %c0_i32_0 : i32, i32
  }
  func.func @transform_6(%arg0: i32) -> (i32, i32) {
    %c0_i32 = arith.constant 0 : i32
    %c0_i32_0 = arith.constant 0 : i32
    %c0_i32_1 = arith.constant 0 : i32
    return %c0_i32, %c0_i32_0 : i32, i32
  }
  func.func @transform_7(%arg0: i32) -> (i32, i32) {
    %c0_i32 = arith.constant 0 : i32
    %c0_i32_0 = arith.constant 0 : i32
    return %arg0, %c0_i32 : i32, i32
  }
}

</mosaic_0001>

<sc_bundles>
// kernel: kernel.4.cloned.1.call-start
scs
__scs_entry_jumppad:
0x0: {  	(pc) =	sbr.rel $0x88, $3  }
0x1: {  	(tag) =	ssettag $0x0;
	lr =	simm.s32 $0x1  }
0x2: {  	[smem:$0x3F9C] =	sst lr;
	_ =	strace $0xD0000000  }
0x3: {  	_ = 	snop  }
0x4: {  	_ = 	snop  }
0x5: {  	_ = 	snop  }
0x6: {  	_ = 	snop  }
0x7: {  	_ = 	snop  }
__scs_overlays_trampoline_lowered:
0x8: {  	[smem:$0x3FAB] =	sst s0  }
0x9: {  	[smem:$0x3FAC] =	sst s1  }
0xa: {  	[smem:$0x3FAD] =	sst s2  }
0xb: {  	[smem:$0x3FAE] =	sst s3  }
0xc: {  	[smem:$0x3FAF] =	sst s4  }
0xd: {  	[smem:$0x3FB0] =	sst s5  }
0xe: {  	[smem:$0x3FB1] =	sst s6  }
0xf: {  	[smem:$0x3FB2] =	sst s7  }
0x10: {  	[smem:$0x3FB3] =	sst s8  }
0x11: {  	[smem:$0x3FB4] =	sst s9;
	s0 =	simm.s32 @!p0 $0x0  }
0x12: {  	s1 =	sld [smem:$0x3F9A];
	s0 =	simm.s32 @p0 $0x1  }
0x13: {  	[smem:$0x3FB5] =	sst s0;
	s0 =	simm.s32 @!p1 $0x0  }
0x14: {  	s2 =	sld [smem:$0x3F99];
	s0 =	simm.s32 @p1 $0x1  }
0x15: {  	[smem:$0x3FB6] =	sst s0;
	s0 =	simm.s32 @!p2 $0x0  }
0x16: {  	s3 =	sld [smem:$0x3FDB];
	s0 =	simm.s32 @p2 $0x1  }
0x17: {  	s4 =	simm.s32 $0x1BF5;
	[smem:$0x3FB8] =	sst s0  }
0x18: {  	s0 =	sld [smem:$0x3F9B];
	_ =	swait.ge [sflag:s4], $0x0  }
0x19: {  	s7 =	sld [smem:$0x3F9C]  }
0x1a: {  	s8 =	sadd.s32 $0xFFFFE003, lr  }
0x1b: {  	s9 =	sadd.s32 $0xFFFFFEF7, lr;
	s5 =	simm.s32 $0xFFFFFFFF;
	p2 =	slt.u32 s8, $0xFFFFF086  }
0x1c: {  	p1 =	slt.u32 s9, $0xF7A;
	s5 =	simm.s32 @!p2 $0x0  }
0x1d: {  	s5 =	simm.s32 @p1 $0x1;
	p0 =	seq.s32 s7, s2  }
0x1e: {  	s7 =	smul.u32 @!p0 $0xF7A, s2;
	p2 =	seq.s32 @!p0 s5, $0x0  }
0x1f: {  	s9 =	smul.u32 $0xF7A, s1;
	s8 =	simm.s32 @!p0 $0x1BF5;
	p2 =	por !p2, p0  }
0x20: {  	[sflag:s8] =	ssyncset.s32 @!p0 $0xFFFFF086;
	s6 =	sadd.s32 @!p0 s3, s7;
	s7 =	simm.s32 @!p0 $0x108  }
0x21: {  	s3 =	sadd.s32 s3, s9;
	s6 =	sadd.s32 @!p0 $0x88, s6;
	s7 =	simm.s32 @p2 $0x1082  }
0x22: {  	[simem:s7], [sflag:s8] =	dma.local @!p0 [hbm:s6], $0xF7A  }
0x23: {  	s9 =	sor.u32 $0xD0000000, s2;
	s6 =	simm.s32 $0x108;
	_ =	swait.ge @!p0 [sflag:s8], $0x0  }
0x24: {  	s3 =	sadd.s32 $0x88, s3;
	s6 =	simm.s32 @!p1 $0x1082;
	[sflag:s4] =	ssyncset.s32 $0xFFFFF086  }
0x25: {  	[simem:s6], [sflag:s4] =	dma.local [hbm:s3], $0xF7A  }
0x26: {  	[smem:$0x3F9C] =	sst s1;
	(tag) =	ssettag s2;
	_ =	strace s9  }
0x27: {  	s1 =	sld [smem:$0x3FAC]  }
0x28: {  	s2 =	sld [smem:$0x3FAD]  }
0x29: {  	s4 =	sld [smem:$0x3FAF]  }
0x2a: {  	p0 =	seq.s32 s5, $0x0;
	s5 =	sld [smem:$0x3FB0]  }
0x2b: {  	s6 =	sld [smem:$0x3FB1]  }
0x2c: {  	s7 =	sld [smem:$0x3FB2]  }
0x2d: {  	s3 =	simm.s32 $0x108;
	s8 =	sld [smem:$0x3FB3]  }
0x2e: {  	s3 =	simm.s32 @!p0 $0x1082;
	s9 =	sld [smem:$0x3FB4]  }
0x2f: {  	lr =	sadd.s32 s0, s3;
	s0 =	sld [smem:$0x3FAB]  }
0x30: {  	s3 =	sld [smem:$0x3FAE]  }
0x31: {  	[smem:$0x3FB7] =	sst s10  }
0x32: {  	s10 =	sld [smem:$0x3FB5];
	_ =	sdelay $0x3  }
0x33: {  	p0 =	seq.s32 s10, $0x1;
	s10 =	sld [smem:$0x3FB7];
	_ =	sdelay $0x3  }
0x34: {  	[smem:$0x3FB7] =	sst s10  }
0x35: {  	s10 =	sld [smem:$0x3FB6];
	_ =	sdelay $0x3  }
0x36: {  	p1 =	seq.s32 s10, $0x1;
	s10 =	sld [smem:$0x3FB7];
	_ =	sdelay $0x3  }
0x37: {  	[smem:$0x3FB7] =	sst s10  }
0x38: {  	s10 =	sld [smem:$0x3FB8]  }
0x39: {  	_ = 	snop;
	(pc) =	sbr.ind lr, $3  }
0x3a: {  	_ = 	snop  }
0x3b: {  	_ = 	snop  }
0x3c: {  	p2 =	seq.s32 s10, $0x1;
	s10 =	sld [smem:$0x3FB7]  }
0x3d: {  	_ =	shalt  }
0x3e: {  	_ =	shalt  }
0x3f: {  	_ =	shalt  }
0x40: {  	_ =	shalt  }
0x41: {  	_ =	shalt  }
0x42: {  	_ =	shalt  }
0x43: {  	_ =	shalt  }
0x44: {  	_ =	shalt  }
0x45: {  	_ =	shalt  }
0x46: {  	_ =	shalt  }
0x47: {  	_ =	shalt  }
0x48: {  	_ =	shalt  }
0x49: {  	_ =	shalt  }
0x4a: {  	_ =	shalt  }
0x4b: {  	_ =	shalt  }
0x4c: {  	_ =	shalt  }
0x4d: {  	_ =	shalt  }
0x4e: {  	_ =	shalt  }
0x4f: {  	_ =	shalt  }
0x50: {  	_ =	shalt  }
0x51: {  	_ =	shalt  }
0x52: {  	_ =	shalt  }
0x53: {  	_ =	shalt  }
0x54: {  	_ =	shalt  }
0x55: {  	_ =	shalt  }
0x56: {  	_ =	shalt  }
0x57: {  	_ =	shalt  }
0x58: {  	_ =	shalt  }
0x59: {  	_ =	shalt  }
0x5a: {  	_ =	shalt  }
0x5b: {  	_ =	shalt  }
0x5c: {  	_ =	shalt  }
0x5d: {  	_ =	shalt  }
0x5e: {  	_ =	shalt  }
0x5f: {  	_ =	shalt  }
0x60: {  	_ =	shalt  }
0x61: {  	_ =	shalt  }
0x62: {  	_ =	shalt  }
0x63: {  	_ =	shalt  }
0x64: {  	_ =	shalt  }
0x65: {  	_ =	shalt  }
0x66: {  	_ =	shalt  }
0x67: {  	_ =	shalt  }
0x68: {  	_ =	shalt  }
0x69: {  	_ =	shalt  }
0x6a: {  	_ =	shalt  }
0x6b: {  	_ =	shalt  }
0x6c: {  	_ =	shalt  }
0x6d: {  	_ =	shalt  }
0x6e: {  	_ =	shalt  }
0x6f: {  	_ =	shalt  }
0x70: {  	_ =	shalt  }
0x71: {  	_ =	shalt  }
0x72: {  	_ =	shalt  }
0x73: {  	_ =	shalt  }
0x74: {  	_ =	shalt  }
0x75: {  	_ =	shalt  }
0x76: {  	_ =	shalt  }
0x77: {  	_ =	shalt  }
0x78: {  	_ =	shalt  }
0x79: {  	_ =	shalt  }
0x7a: {  	_ =	shalt  }
0x7b: {  	_ =	shalt  }
0x7c: {  	_ =	shalt  }
0x7d: {  	_ =	shalt  }
0x7e: {  	_ =	shalt  }
0x7f: {  	_ =	shalt  }
0x80: {  	_ =	shalt  }
0x81: {  	_ =	shalt  }
0x82: {  	_ =	shalt  }
0x83: {  	_ =	shalt  }
0x84: {  	_ =	shalt  }
0x85: {  	_ =	shalt  }
0x86: {  	_ =	shalt  }
0x87: {  	_ =	shalt  }
.Lfunc_end0:
.L_simem_size_0:
called_computation_lowered:
.L_overlay_start_0:
0x88: {  	s2 =	sld [smem:$0x3FD9]  }
0x89: {  	s3 =	sld [smem:$0x3FFE];
	_ =	sdelay $0x1  }
0x8a: {  	s1 =	srdreg.scid  }
0x8b: {  	s0 =	sand.u32 $0x1, s1  }
0x8c: {  	s17 =	sshll.u32 s0, $0xA;
	s2 =	sadd.s32 s3, s2  }
0x8d: {  	s2 =	sadd.s32 s2, s17  }
0x8e: {  	[smem:$0x3FC3] =	sst s2  }
0x8f: {  	_ = 	snop  }
0x90: {  	s2 =	sld [smem:$0x3FD0];
	(tm) =	ssettm $0x1  }
0x91: {  	s18 =	sld [smem:$0x3FFB];
	_ =	sdelay $0x3  }
0x92: {  	_ =	strace s18  }
0x93: {  	s3 =	sld [smem:$0x3FFC];
	_ =	sdelay $0x3  }
0x94: {  	_ =	strace s3  }
0x95: {  	s3 =	sld [smem:$0x3FFD];
	_ =	sdelay $0x3  }
0x96: {  	_ =	strace s3  }
0x97: {  	_ =	strace $0x8FFFFFFF  }
0x98: {  	s19 =	sld [smem:$0x3FDB];
	_ =	sdelay $0x1  }
0x99: {  	s4 =	simm.s32 $_scs_section_size  }
0x9a: {  	s5 =	simm.s32 $_size__tile_overlayer_lowered;
	s6 =	simm.s32 $_tile_overlayer_lowered  }
0x9b: {  	s22 =	simm.s32 $0x1BFF;
	s21 =	sshll.u32 s6, $0x1;
	s3 =	sadd.s32 s4, s19  }
0x9c: {  	s7 =	simm.s32 $0x0;
	s20 =	sshll.u32 s5, $0x1;
	s5 =	sadd.s32 s21, s3  }
0x9d: {  	[timem:s7], [sflag:s22] =	dma.local [hbm:s5], s20  }
0x9e: {  	_ =	swait.ge [sflag:s22], s20  }
0x9f: {  	s4 =	ssub.s32 $0x0, s20;
	[sflag:s22] =	ssyncset.done $0x0  }
0xa0: {  	[sflag:s22] =	ssyncadd.s32 s4;
	_ =	sdelay $0x1  }
0xa1: {  	s23 =	simm.s32 $0x1B8B  }
0xa2: {  	_ =	swait.ge [sflag:s23], $0x1  }
0xa3: {  	[sflag:s23] =	ssyncset.done $0x0  }
0xa4: {  	s25 =	simm.s32 $0x1B8E;
	s24 =	sld [smem:$0x3FFE];
	[sflag:s23] =	ssyncadd.s32 $0xFFFFFFFF  }
0xa5: {  	s26 =	simm.s32 $execute0_lowered;
	[smem:$0x3FD2] =	sst s25  }
0xa6: {  	s5 =	sshll.u32 s26, $0x1;
	_ =	strace $0x80000046;
	[dreg:$0x1] =	wrdreg $0xFFFFFFFF  }
0xa7: {  	s28 =	simm.s32 $_size_execute0_lowered;
	s3 =	sadd.s32 s3, s5;
	[dreg:$0x0] =	wrdreg $0x0  }
0xa8: {  	s5 =	sshll.u32 s28, $0x1;
	[dreg:$0x2] =	wrdreg s3  }
0xa9: {  	[dreg:$0x3] =	wrdreg s5  }
0xaa: {  	[dreg:$0x4] =	wrdreg $0xC0  }
0xab: {  	_ =	task [dreg:s7], $0x5FFFF  }
0xac: {  	[dreg:$0x1] =	wrdreg $0xFFFFFFFF  }
0xad: {  	[dreg:$0x0] =	wrdreg $0x60  }
0xae: {  	[dreg:$0x2] =	wrdreg s2  }
0xaf: {  	[dreg:$0x3] =	wrdreg s24  }
0xb0: {  	[dreg:$0x4] =	wrdreg $0x84000  }
0xb1: {  	[dreg:$0x5] =	wrdreg $0x9  }
0xb2: {  	_ =	task.clear_ibuf [dreg:s7], $0x6FFFF;
	_ =	strace $0x90000046  }
0xb3: {  	s29 =	simm.s32 $0x9;
	_ =	strace $0x80000048  }
0xb4: {  	_ =	swait.ge [sflag:s29], $0x1  }
0xb5: {  	[sflag:s29] =	ssyncadd.s32 $0xFFFFFFFF  }
0xb6: {  	_ =	strace $0x90000048  }
0xb7: {  	_ =	sfence  }
0xb8: {  	s30 =	sld [smem:$0x0];
	_ =	sdelay $0x2  }
0xb9: {  	s31 =	sshll.u32 s1, $0xD;
	s1 =	sshrl.u32 s1, $0x2  }
0xba: {  	s3 =	sand.u32 $0x4000, s31;
	s1 =	sadd.s32 s1, s30  }
0xbb: {  	s0 =	sor.u32 s3, s0;
	s1 =	sshll.u32 s1, $0x11  }
0xbc: {  	s0 =	sor.u32 s1, s0  }
0xbd: {  	s0 =	sadd.s32 $0x8F2B, s0  }
0xbe: {  	[sflag:s0] =	ssyncadd.remote.s32 $0x1  }
0xbf: {  	_ =	sfence.sel $0xFFFF  }
0xc0: {  	[dreg:$0x0] =	wrdreg $0xFFFFFFFF;
	(pc) =	sbr.abs _section_cstart, $3  }
0xc1: {  	[dreg:$0x1] =	wrdreg $0xFFFFFFFF  }
0xc2: {  	_ =	task.clear_ibuf [dreg:s7], $0x2FFFF;
	_ =	strace $0x9FFFFFFF  }
0xc3: {  	(tm) =	ssettm $0x7FFFFFFF  }
tec
execute0_lowered:
.L_overlay_start_1:
0x0: {  	(tag) =	ssettag $0x1  }
0x1: {  	s1 =	rddreg [dreg:$0x0]  }
0x2: {  	s0 =	rddreg [dreg:$0x1]  }
0x3: {  	s2 =	rddreg [dreg:$0x2];
	s3 =	simm.s32 $0x0;
	s5 =	srdreg.scid  }
0x4: {  	s28 =	stileid.u32;
	[smem:$0x7FF] =	sst s3;
	s6 =	sadd.s32 $0x1600, s0  }
0x5: {  	s4 =	sadd.s32 $0xB600, s0;
	s5 =	sand.u32 $0x1, s5;
	s12 =	sshll.u32 s28, $0x7  }
0x6: {  	_ =	strace $0x80000047;
	s7 =	smul.u32 $0x28000, s5;
	s5 =	ssub.s32 $0x2, s5  }
0x7: {  	s13 =	sand.u32 $0x400, s12;
	s14 =	sand.u32 $0x380, s12;
	s10 =	sor.u32 $0x4000, s12  }
0x8: {  	s23 =	sor.u32 $0x3800, s12;
	s29 =	sor.u32 $0x3000, s12;
	s12 =	sor.u32 $0x2800, s12  }
0x9: {  	s8 =	sshrl.u32 s5, $0x1;
	s21 =	sor.u32 $0x800, s13;
	s9 =	sor.u32 $0x1000, s13  }
0xa: {  	s18 =	sor.u32 $0x1800, s13;
	s10 =	sand.u32 $0x4400, s10;
	s20 =	sor.u32 $0x2000, s13  }
0xb: {  	s12 =	sand.u32 $0x2C00, s12;
	s5 =	ssub.s32 s5, s8;
	s11 =	sor.u32 s7, s14  }
0xc: {  	s8 =	sor.u32 s14, s21;
	s12 =	sor.u32 s14, s12;
	s15 =	sor.u32 s13, s11  }
0xd: {  	s16 =	sor.u32 s21, s11;
	s17 =	sor.u32 s9, s11;
	s9 =	sor.u32 s14, s9  }
0xe: {  	s19 =	sor.u32 s18, s11;
	s21 =	sor.u32 s14, s10;
	s10 =	sor.u32 s14, s18  }
0xf: {  	s18 =	sor.u32 s20, s11;
	s11 =	sor.u32 s14, s20;
	s22 =	sor.u32 s7, s21  }
0x10: {  	s21 =	sshrl.u32 s21, $0x3;
	s15 =	sshrl.u32 s15, $0x3;
	s16 =	sshrl.u32 s16, $0x3  }
0x11: {  	s10 =	sshrl.u32 s10, $0x3;
	s11 =	sshrl.u32 s11, $0x3;
	s22 =	sshrl.u32 s22, $0x3  }
0x12: {  	s24 =	sadd.s32 s21, s4;
	s20 =	sadd.s32 s22, s6;
	s22 =	sand.u32 $0x3C00, s23  }
0x13: {  	[dreg:$0x5] =	wrdreg s24;
	s23 =	sor.u32 $0x26800, s13;
	s25 =	sor.u32 s14, s22  }
0x14: {  	[dreg:$0x4] =	wrdreg s20;
	s22 =	sand.u32 $0x3400, s29;
	s26 =	sor.u32 s7, s25  }
0x15: {  	s21 =	sshrl.u32 s25, $0x3;
	s22 =	sor.u32 s14, s22;
	s25 =	sadd.s32 s7, s23  }
0x16: {  	s23 =	sor.u32 s14, s23;
	s20 =	sshrl.u32 s26, $0x3;
	s21 =	sadd.s32 s21, s4  }
0x17: {  	s24 =	sor.u32 s7, s22;
	s22 =	sshrl.u32 s22, $0x3;
	s26 =	sor.u32 $0x27000, s13  }
0x18: {  	s13 =	sor.u32 $0x27800, s13;
	s20 =	sadd.s32 s20, s6;
	[dreg:$0x7] =	wrdreg s21  }
0x19: {  	s21 =	sshrl.u32 s24, $0x3;
	s22 =	sadd.s32 s22, s4;
	s29 =	sadd.s32 s7, s26  }
0x1a: {  	s24 =	smul.u32 $0x2800, s28;
	[dreg:$0x6] =	wrdreg s20;
	s20 =	sor.u32 s14, s25  }
0x1b: {  	s21 =	sadd.s32 s21, s6;
	[dreg:$0x9] =	wrdreg s22;
	s22 =	sor.u32 s14, s29  }
0x1c: {  	s25 =	sadd.s32 s7, s13;
	[dreg:$0x8] =	wrdreg s21;
	s21 =	sor.u32 s14, s26  }
0x1d: {  	s25 =	sor.u32 s14, s25;
	s26 =	sor.u32 s14, s13;
	s14 =	sadd.s32 s24, s7  }
0x1e: {  	s13 =	sadd.s32 s6, s15;
	s24 =	sshrl.u32 s17, $0x3;
	s15 =	sshrl.u32 s19, $0x3  }
0x1f: {  	s17 =	sshrl.u32 s20, $0x3;
	s7 =	sor.u32 s7, s12;
	s19 =	sshrl.u32 s22, $0x3  }
0x20: {  	[dreg:$0xa] =	wrdreg s13;
	s13 =	sadd.s32 s6, s16;
	s29 =	sadd.s32 s6, s24  }
0x21: {  	s16 =	sshrl.u32 s18, $0x3;
	s18 =	sadd.s32 s6, s17;
	s20 =	sshrl.u32 s25, $0x3  }
0x22: {  	s7 =	sshrl.u32 s7, $0x3;
	s24 =	sshrl.u32 s8, $0x3;
	[dreg:$0xb] =	wrdreg s13  }
0x23: {  	s25 =	sshrl.u32 s9, $0x3;
	[dreg:$0xc] =	wrdreg s29;
	s13 =	sadd.s32 s6, s15  }
0x24: {  	[dreg:$0xf] =	wrdreg s18;
	s22 =	sadd.s32 s6, s20;
	s29 =	sshll.u32 s28, $0x4  }
0x25: {  	s9 =	sadd.s32 s4, s25;
	s15 =	sshrl.u32 s23, $0x3;
	s18 =	sshrl.u32 s21, $0x3  }
0x26: {  	s20 =	smul.u32 $0x50000, s28;
	s23 =	sadd.s32 s14, s0;
	[dreg:$0xd] =	wrdreg s13  }
0x27: {  	s0 =	sadd.s32 $0x10600, s0;
	s14 =	simm.s32 $0x5;
	[dreg:$0x11] =	wrdreg s22  }
0x28: {  	s13 =	sadd.s32 s6, s16;
	s8 =	sadd.s32 s4, s29;
	[dreg:$0x14] =	wrdreg s9  }
0x29: {  	s16 =	sadd.s32 s4, s11;
	s17 =	sadd.s32 s4, s15;
	s22 =	sshrl.u32 s12, $0x3  }
0x2a: {  	[dreg:$0x1a] =	wrdreg s0;
	s25 =	sadd.s32 $0x10E00, s23;
	s0 =	simm.s32 $0x200  }
0x2b: {  	s9 =	simm.s32 $0x400;
	s11 =	simm.s32 $0x9;
	[dreg:$0xe] =	wrdreg s13  }
0x2c: {  	s12 =	simm.s32 $0x2;
	s15 =	simm.s32 $0x180;
	[dreg:$0x12] =	wrdreg s8  }
0x2d: {  	s23 =	simm.s32 $0x0;
	s13 =	sadd.s32 s6, s19;
	[dreg:$0x16] =	wrdreg s16  }
0x2e: {  	[dreg:$0x17] =	wrdreg s17;
	s19 =	sshrl.u32 s26, $0x3;
	s22 =	sadd.s32 s22, s4  }
0x2f: {  	[dreg:$0x1b] =	wrdreg s25;
	s26 =	smax.u32 s5, $0x1;
	s5 =	simm.s32 $0x280  }
0x30: {  	s8 =	simm.s32 $0x1;
	s16 =	simm.s32 $0x380;
	s17 =	simm.s32 $0x7  }
0x31: {  	[dreg:$0x10] =	wrdreg s13;
	s13 =	sadd.s32 s7, s6;
	s6 =	sadd.s32 s4, s24  }
0x32: {  	s21 =	sadd.s32 s4, s19;
	s24 =	sshrl.u32 s20, $0x2;
	[dreg:$0x1c] =	wrdreg s26  }
0x33: {  	s7 =	simm.s32 $0x300;
	s19 =	simm.s32 $0x6;
	[dreg:$0x13] =	wrdreg s6  }
0x34: {  	s20 =	simm.s32 $0x8;
	s6 =	sadd.s32 s4, s10;
	[dreg:$0x19] =	wrdreg s21  }
0x35: {  	s24 =	sadd.s32 s24, s2;
	s10 =	simm.s32 $0x4400;
	s21 =	simm.s32 $0x4  }
0x36: {  	[dreg:$0x15] =	wrdreg s6;
	s6 =	sadd.s32 s4, s18;
	s28 =	sadd.s32 $0x4000, s24  }
0x37: {  	s29 =	sadd.s32 $0x8000, s24;
	s30 =	sadd.s32 $0xC000, s24;
	[dreg:$0x18] =	wrdreg s6  }
0x38: {  	s31 =	sadd.s32 $0x10000, s24;
	s4 =	simm.s32 $0x80;
	[dreg:$0x1d] =	wrdreg s28  }
0x39: {  	s18 =	simm.s32 $0x3;
	[dreg:$0x1e] =	wrdreg s29;
	s6 =	simm.s32 $0x100  }
.LBB2_1:
0x3a: {  	s25 =	rddreg [dreg:$0xa]  }
0x3b: {  	[tilespmem:s3], [sflag:$0x1] =	stream.linear.gather [hbm4b:s25+s3], $0x80, $0x38;
	[tilespmem:$0x1C400] =	vst v63  }
0x3c: {  	s26 =	rddreg [dreg:$0x12]  }
0x3d: {  	[tilespmem:s0], [sflag:$0x1] =	stream.linear.gather [hbm4b:s26+s3], $0x80, $0x38;
	[tilespmem:$0x1C400] =	vst v63  }
0x3e: {  	s28 =	rddreg [dreg:$0xb]  }
0x3f: {  	[tilespmem:s4], [sflag:$0x2] =	stream.linear.gather [hbm4b:s28+s3], $0x80, $0x38;
	[tilespmem:$0x1C400] =	vst v63  }
0x40: {  	s29 =	rddreg [dreg:$0x13]  }
0x41: {  	[tilespmem:s5], [sflag:$0x2] =	stream.linear.gather [hbm4b:s29+s3], $0x80, $0x38;
	[tilespmem:$0x1C400] =	vst v63  }
0x42: {  	s26 =	rddreg [dreg:$0xc]  }
0x43: {  	[tilespmem:s6], [sflag:$0x3] =	stream.linear.gather [hbm4b:s26+s3], $0x80, $0x38;
	[tilespmem:$0x1C400] =	vst v63  }
0x44: {  	s28 =	rddreg [dreg:$0x14]  }
0x45: {  	[tilespmem:s7], [sflag:$0x3] =	stream.linear.gather [hbm4b:s28+s3], $0x80, $0x38;
	[tilespmem:$0x1C400] =	vst v63  }
0x46: {  	_ =	swait.ge [sflag:s8], $0x80  }
0x47: {  	[sflag:s8] =	ssyncset.done $0x0  }
0x48: {  	[sflag:s8] =	ssyncadd.s32 $0xFFFFFF80  }
0x49: {  	_ =	swait.ge [sflag:s8], $0x80  }
0x4a: {  	[sflag:s8] =	ssyncset.done $0x0  }
0x4b: {  	[sflag:s8] =	ssyncadd.s32 $0xFFFFFF80  }
0x4c: {  	[tilespmem:s9], [sflag:$0x5] =	stream.indirect.gather [hbm4b:s1+s4], $0x80, s3, s4, $0xb8;
	[tilespmem:$0x1C400] =	vst v63  }
0x4d: {  	s29 =	rddreg [dreg:$0x1a]  }
0x4e: {  	[tilespmem:s10], [sflag:$0x9] =	stream.linear.gather [hbm4b:s29+s3], $0x4000, $0x38;
	[tilespmem:$0x1C400] =	vst v63  }
0x4f: {  	_ =	swait.ge [sflag:s11], $0x4000  }
0x50: {  	[sflag:s11] =	ssyncset.done $0x0  }
0x51: {  	[sflag:s11] =	ssyncadd.s32 $0xFFFFC000  }
0x52: {  	[spmem:s24] =	stream.linear.scatter [tilespmem:s10], [sflag:$0x9], $0x4000, $0x38;
	[tilespmem:$0x1C400] =	vst v63  }
0x53: {  	_ =	swait.ge [sflag:s11], $0x4000  }
0x54: {  	[sflag:s11] =	ssyncset.done $0x0  }
0x55: {  	s26 =	rddreg [dreg:$0x1d];
	[sflag:s11] =	ssyncadd.s32 $0xFFFFC000  }
0x56: {  	[spmem:s26] =	stream.linear.scatter [tilespmem:s10], [sflag:$0x9], $0x4000, $0x38;
	[tilespmem:$0x1C400] =	vst v63  }
0x57: {  	_ =	swait.ge [sflag:s11], $0x4000  }
0x58: {  	[sflag:s11] =	ssyncset.done $0x0  }
0x59: {  	s28 =	rddreg [dreg:$0x1e];
	[sflag:s11] =	ssyncadd.s32 $0xFFFFC000  }
0x5a: {  	[spmem:s28] =	stream.linear.scatter [tilespmem:s10], [sflag:$0x9], $0x4000, $0x38;
	[tilespmem:$0x1C400] =	vst v63  }
0x5b: {  	_ =	swait.ge [sflag:s11], $0x4000  }
0x5c: {  	[sflag:s11] =	ssyncset.done $0x0  }
0x5d: {  	[sflag:s11] =	ssyncadd.s32 $0xFFFFC000  }
0x5e: {  	[spmem:s30] =	stream.linear.scatter [tilespmem:s10], [sflag:$0x9], $0x4000, $0x38;
	[tilespmem:$0x1C400] =	vst v63  }
0x5f: {  	_ =	swait.ge [sflag:s11], $0x4000  }
0x60: {  	[sflag:s11] =	ssyncset.done $0x0  }
0x61: {  	[sflag:s11] =	ssyncadd.s32 $0xFFFFC000  }
0x62: {  	[spmem:s31] =	stream.linear.scatter [tilespmem:s10], [sflag:$0x9], $0x4000, $0x38;
	[tilespmem:$0x1C400] =	vst v63  }
0x63: {  	_ =	swait.ge [sflag:s11], $0x4000  }
0x64: {  	[sflag:s11] =	ssyncset.done $0x0  }
0x65: {  	[sflag:s11] =	ssyncadd.s32 $0xFFFFC000  }
0x66: {  	[bflag:$0x0] =	sbarrier.arrive $0xFFFF  }
0x67: {  	_ =	swait.ge [sflag:s12], $0x80  }
0x68: {  	[sflag:s12] =	ssyncset.done $0x0  }
0x69: {  	[sflag:s12] =	ssyncadd.s32 $0xFFFFFF80  }
0x6a: {  	_ =	swait.ge [sflag:s12], $0x80  }
0x6b: {  	[sflag:s12] =	ssyncset.done $0x0  }
0x6c: {  	[sflag:s12] =	ssyncadd.s32 $0xFFFFFF80  }
0x6d: {  	[tilespmem:s10], [sflag:$0x6] =	stream.indirect.gather [hbm4b:s1+s4], $0x80, s4, s4, $0xb8;
	[tilespmem:$0x1C400] =	vst v63  }
0x6e: {  	_ =	swait.ge [sflag:s14], $0x4000  }
0x6f: {  	[sflag:s14] =	ssyncset.done $0x0  }
0x70: {  	[sflag:s14] =	ssyncadd.s32 $0xFFFFC000  }
0x71: {  	[spmem:s2] =	stream.indirect.scatter.add.f32 [tilespmem:s9], [sflag:$0x7], $0x80, s0, s4, $0xb8;
	[tilespmem:$0x1C400] =	vst v63  }
0x72: {  	s29 =	rddreg [dreg:$0xd]  }
0x73: {  	[tilespmem:s15], [sflag:$0x4] =	stream.linear.gather [hbm4b:s29+s3], $0x80, $0x38;
	[tilespmem:$0x1C400] =	vst v63  }
0x74: {  	s26 =	rddreg [dreg:$0x15]  }
0x75: {  	[tilespmem:s16], [sflag:$0x4] =	stream.linear.gather [hbm4b:s26+s3], $0x80, $0x38;
	[tilespmem:$0x1C400] =	vst v63  }
0x76: {  	_ =	swait.ge [sflag:s17], $0x4000  }
0x77: {  	[sflag:s17] =	ssyncset.done $0x0  }
0x78: {  	[sflag:s17] =	ssyncadd.s32 $0xFFFFC000  }
0x79: {  	_ =	swait.ge [sflag:s18], $0x80  }
0x7a: {  	[sflag:s18] =	ssyncset.done $0x0  }
0x7b: {  	[sflag:s18] =	ssyncadd.s32 $0xFFFFFF80  }
0x7c: {  	_ =	swait.ge [sflag:s18], $0x80  }
0x7d: {  	[sflag:s18] =	ssyncset.done $0x0  }
0x7e: {  	[sflag:s18] =	ssyncadd.s32 $0xFFFFFF80  }
0x7f: {  	[tilespmem:s9], [sflag:$0x5] =	stream.indirect.gather [hbm4b:s1+s4], $0x80, s6, s4, $0xb8;
	[tilespmem:$0x1C400] =	vst v63  }
0x80: {  	_ =	swait.ge [sflag:s19], $0x4000  }
0x81: {  	[sflag:s19] =	ssyncset.done $0x0  }
0x82: {  	[sflag:s19] =	ssyncadd.s32 $0xFFFFC000  }
0x83: {  	[spmem:s2] =	stream.indirect.scatter.add.f32 [tilespmem:s10], [sflag:$0x8], $0x80, s5, s4, $0xb8;
	[tilespmem:$0x1C400] =	vst v63  }
0x84: {  	s28 =	rddreg [dreg:$0xe]  }
0x85: {  	[tilespmem:s3], [sflag:$0x1] =	stream.linear.gather [hbm4b:s28+s3], $0x80, $0x38;
	[tilespmem:$0x1C400] =	vst v63  }
0x86: {  	s29 =	rddreg [dreg:$0x16]  }
0x87: {  	[tilespmem:s0], [sflag:$0x1] =	stream.linear.gather [hbm4b:s29+s3], $0x80, $0x38;
	[tilespmem:$0x1C400] =	vst v63  }
0x88: {  	_ =	swait.ge [sflag:s20], $0x4000  }
0x89: {  	[sflag:s20] =	ssyncset.done $0x0  }
0x8a: {  	[sflag:s20] =	ssyncadd.s32 $0xFFFFC000  }
0x8b: {  	_ =	swait.ge [sflag:s21], $0x80  }
0x8c: {  	[sflag:s21] =	ssyncset.done $0x0  }
0x8d: {  	[sflag:s21] =	ssyncadd.s32 $0xFFFFFF80  }
0x8e: {  	_ =	swait.ge [sflag:s21], $0x80  }
0x8f: {  	[sflag:s21] =	ssyncset.done $0x0  }
0x90: {  	[sflag:s21] =	ssyncadd.s32 $0xFFFFFF80  }
0x91: {  	[tilespmem:s10], [sflag:$0x6] =	stream.indirect.gather [hbm4b:s1+s4], $0x80, s15, s4, $0xb8;
	[tilespmem:$0x1C400] =	vst v63  }
0x92: {  	_ =	swait.ge [sflag:s14], $0x4000  }
0x93: {  	[sflag:s14] =	ssyncset.done $0x0  }
0x94: {  	[sflag:s14] =	ssyncadd.s32 $0xFFFFC000  }
0x95: {  	[spmem:s2] =	stream.indirect.scatter.add.f32 [tilespmem:s9], [sflag:$0x7], $0x80, s7, s4, $0xb8;
	[tilespmem:$0x1C400] =	vst v63  }
0x96: {  	s26 =	sadd.s32 $0x0, s13  }
0x97: {  	[tilespmem:s4], [sflag:$0x2] =	stream.linear.gather [hbm4b:s26+s3], $0x80, $0x38;
	[tilespmem:$0x1C400] =	vst v63  }
0x98: {  	s28 =	sadd.s32 $0x0, s22  }
0x99: {  	[tilespmem:s5], [sflag:$0x2] =	stream.linear.gather [hbm4b:s28+s3], $0x80, $0x38;
	[tilespmem:$0x1C400] =	vst v63  }
0x9a: {  	_ =	swait.ge [sflag:s17], $0x4000  }
0x9b: {  	[sflag:s17] =	ssyncset.done $0x0  }
0x9c: {  	[sflag:s17] =	ssyncadd.s32 $0xFFFFC000  }
0x9d: {  	_ =	swait.ge [sflag:s8], $0x80  }
0x9e: {  	[sflag:s8] =	ssyncset.done $0x0  }
0x9f: {  	[sflag:s8] =	ssyncadd.s32 $0xFFFFFF80  }
0xa0: {  	_ =	swait.ge [sflag:s8], $0x80  }
0xa1: {  	[sflag:s8] =	ssyncset.done $0x0  }
0xa2: {  	[sflag:s8] =	ssyncadd.s32 $0xFFFFFF80  }
0xa3: {  	[tilespmem:s9], [sflag:$0x5] =	stream.indirect.gather [hbm4b:s1+s4], $0x80, s3, s4, $0xb8;
	[tilespmem:$0x1C400] =	vst v63  }
0xa4: {  	_ =	swait.ge [sflag:s19], $0x4000  }
0xa5: {  	[sflag:s19] =	ssyncset.done $0x0  }
0xa6: {  	s29 =	rddreg [dreg:$0x8];
	[sflag:s19] =	ssyncadd.s32 $0xFFFFC000  }
0xa7: {  	[spmem:s2] =	stream.indirect.scatter.add.f32 [tilespmem:s10], [sflag:$0x8], $0x80, s16, s4, $0xb8;
	[tilespmem:$0x1C400] =	vst v63  }
0xa8: {  	s26 =	rddreg [dreg:$0x9];
	s25 =	sadd.s32 $0x0, s29  }
0xa9: {  	[tilespmem:s6], [sflag:$0x3] =	stream.linear.gather [hbm4b:s25+s3], $0x80, $0x38;
	[tilespmem:$0x1C400] =	vst v63  }
0xaa: {  	s26 =	sadd.s32 $0x0, s26  }
0xab: {  	[tilespmem:s7], [sflag:$0x3] =	stream.linear.gather [hbm4b:s26+s3], $0x80, $0x38;
	[tilespmem:$0x1C400] =	vst v63  }
0xac: {  	_ =	swait.ge [sflag:s20], $0x4000  }
0xad: {  	[sflag:s20] =	ssyncset.done $0x0  }
0xae: {  	[sflag:s20] =	ssyncadd.s32 $0xFFFFC000  }
0xaf: {  	_ =	swait.ge [sflag:s12], $0x80  }
0xb0: {  	[sflag:s12] =	ssyncset.done $0x0  }
0xb1: {  	[sflag:s12] =	ssyncadd.s32 $0xFFFFFF80  }
0xb2: {  	_ =	swait.ge [sflag:s12], $0x80  }
0xb3: {  	[sflag:s12] =	ssyncset.done $0x0  }
0xb4: {  	[sflag:s12] =	ssyncadd.s32 $0xFFFFFF80  }
0xb5: {  	[tilespmem:s10], [sflag:$0x6] =	stream.indirect.gather [hbm4b:s1+s4], $0x80, s4, s4, $0xb8;
	[tilespmem:$0x1C400] =	vst v63  }
0xb6: {  	_ =	swait.ge [sflag:s14], $0x4000  }
0xb7: {  	[sflag:s14] =	ssyncset.done $0x0  }
0xb8: {  	s28 =	rddreg [dreg:$0x6];
	[sflag:s14] =	ssyncadd.s32 $0xFFFFC000  }
0xb9: {  	[spmem:s2] =	stream.indirect.scatter.add.f32 [tilespmem:s9], [sflag:$0x7], $0x80, s0, s4, $0xb8;
	[tilespmem:$0x1C400] =	vst v63  }
0xba: {  	s29 =	rddreg [dreg:$0x7];
	s25 =	sadd.s32 $0x0, s28  }
0xbb: {  	[tilespmem:s15], [sflag:$0x4] =	stream.linear.gather [hbm4b:s25+s3], $0x80, $0x38;
	[tilespmem:$0x1C400] =	vst v63  }
0xbc: {  	s26 =	sadd.s32 $0x0, s29  }
0xbd: {  	[tilespmem:s16], [sflag:$0x4] =	stream.linear.gather [hbm4b:s26+s3], $0x80, $0x38;
	[tilespmem:$0x1C400] =	vst v63  }
0xbe: {  	_ =	swait.ge [sflag:s17], $0x4000  }
0xbf: {  	[sflag:s17] =	ssyncset.done $0x0  }
0xc0: {  	[sflag:s17] =	ssyncadd.s32 $0xFFFFC000  }
0xc1: {  	_ =	swait.ge [sflag:s18], $0x80  }
0xc2: {  	[sflag:s18] =	ssyncset.done $0x0  }
0xc3: {  	[sflag:s18] =	ssyncadd.s32 $0xFFFFFF80  }
0xc4: {  	_ =	swait.ge [sflag:s18], $0x80  }
0xc5: {  	[sflag:s18] =	ssyncset.done $0x0  }
0xc6: {  	[sflag:s18] =	ssyncadd.s32 $0xFFFFFF80  }
0xc7: {  	[tilespmem:s9], [sflag:$0x5] =	stream.indirect.gather [hbm4b:s1+s4], $0x80, s6, s4, $0xb8;
	[tilespmem:$0x1C400] =	vst v63  }
0xc8: {  	_ =	swait.ge [sflag:s19], $0x4000  }
0xc9: {  	[sflag:s19] =	ssyncset.done $0x0  }
0xca: {  	s28 =	rddreg [dreg:$0x4];
	[sflag:s19] =	ssyncadd.s32 $0xFFFFC000  }
0xcb: {  	[spmem:s2] =	stream.indirect.scatter.add.f32 [tilespmem:s10], [sflag:$0x8], $0x80, s5, s4, $0xb8;
	[tilespmem:$0x1C400] =	vst v63  }
0xcc: {  	s29 =	rddreg [dreg:$0x5];
	s25 =	sadd.s32 $0x0, s28  }
0xcd: {  	[tilespmem:s3], [sflag:$0x1] =	stream.linear.gather [hbm4b:s25+s3], $0x80, $0x38;
	[tilespmem:$0x1C400] =	vst v63  }
0xce: {  	s26 =	sadd.s32 $0x0, s29;
	s25 =	simm.s32 $0x400  }
.LBB2_2:
0xcf: {  	[tilespmem:s0], [sflag:$0x1] =	stream.linear.gather [hbm4b:s26+s3], $0x80, $0x38;
	[tilespmem:$0x1C400] =	vst v63  }
0xd0: {  	_ =	swait.ge [sflag:s20], $0x4000  }
0xd1: {  	[sflag:s20] =	ssyncset.done $0x0  }
0xd2: {  	[sflag:s20] =	ssyncadd.s32 $0xFFFFC000  }
0xd3: {  	_ =	swait.ge [sflag:s21], $0x80  }
0xd4: {  	[sflag:s21] =	ssyncset.done $0x0  }
0xd5: {  	[sflag:s21] =	ssyncadd.s32 $0xFFFFFF80  }
0xd6: {  	_ =	swait.ge [sflag:s21], $0x80  }
0xd7: {  	[sflag:s21] =	ssyncset.done $0x0  }
0xd8: {  	[sflag:s21] =	ssyncadd.s32 $0xFFFFFF80  }
0xd9: {  	[tilespmem:s10], [sflag:$0x6] =	stream.indirect.gather [hbm4b:s1+s4], $0x80, s15, s4, $0xb8;
	[tilespmem:$0x1C400] =	vst v63  }
0xda: {  	_ =	swait.ge [sflag:s14], $0x4000  }
0xdb: {  	[sflag:s14] =	ssyncset.done $0x0  }
0xdc: {  	s26 =	smov.u32 s25;
	[sflag:s14] =	ssyncadd.s32 $0xFFFFC000  }
0xdd: {  	[spmem:s2] =	stream.indirect.scatter.add.f32 [tilespmem:s9], [sflag:$0x7], $0x80, s7, s4, $0xb8;
	[tilespmem:$0x1C400] =	vst v63  }
0xde: {  	s28 =	sadd.s32 s26, s13  }
0xdf: {  	[tilespmem:s4], [sflag:$0x2] =	stream.linear.gather [hbm4b:s28+s3], $0x80, $0x38;
	[tilespmem:$0x1C400] =	vst v63  }
0xe0: {  	s29 =	sadd.s32 s26, s22  }
0xe1: {  	[tilespmem:s5], [sflag:$0x2] =	stream.linear.gather [hbm4b:s29+s3], $0x80, $0x38;
	[tilespmem:$0x1C400] =	vst v63  }
0xe2: {  	_ =	swait.ge [sflag:s17], $0x4000  }
0xe3: {  	[sflag:s17] =	ssyncset.done $0x0  }
0xe4: {  	[sflag:s17] =	ssyncadd.s32 $0xFFFFC000  }
0xe5: {  	_ =	swait.ge [sflag:s8], $0x80  }
0xe6: {  	[sflag:s8] =	ssyncset.done $0x0  }
0xe7: {  	[sflag:s8] =	ssyncadd.s32 $0xFFFFFF80  }
0xe8: {  	_ =	swait.ge [sflag:s8], $0x80  }
0xe9: {  	[sflag:s8] =	ssyncset.done $0x0  }
0xea: {  	[sflag:s8] =	ssyncadd.s32 $0xFFFFFF80  }
0xeb: {  	[tilespmem:s9], [sflag:$0x5] =	stream.indirect.gather [hbm4b:s1+s4], $0x80, s3, s4, $0xb8;
	[tilespmem:$0x1C400] =	vst v63  }
0xec: {  	_ =	swait.ge [sflag:s19], $0x4000  }
0xed: {  	[sflag:s19] =	ssyncset.done $0x0  }
0xee: {  	s28 =	rddreg [dreg:$0x8];
	[sflag:s19] =	ssyncadd.s32 $0xFFFFC000  }
0xef: {  	[spmem:s2] =	stream.indirect.scatter.add.f32 [tilespmem:s10], [sflag:$0x8], $0x80, s16, s4, $0xb8;
	[tilespmem:$0x1C400] =	vst v63  }
0xf0: {  	s29 =	rddreg [dreg:$0x9];
	s28 =	sadd.s32 s26, s28  }
0xf1: {  	[tilespmem:s6], [sflag:$0x3] =	stream.linear.gather [hbm4b:s28+s3], $0x80, $0x38;
	[tilespmem:$0x1C400] =	vst v63  }
0xf2: {  	s29 =	sadd.s32 s26, s29  }
0xf3: {  	[tilespmem:s7], [sflag:$0x3] =	stream.linear.gather [hbm4b:s29+s3], $0x80, $0x38;
	[tilespmem:$0x1C400] =	vst v63  }
0xf4: {  	_ =	swait.ge [sflag:s20], $0x4000  }
0xf5: {  	[sflag:s20] =	ssyncset.done $0x0  }
0xf6: {  	[sflag:s20] =	ssyncadd.s32 $0xFFFFC000  }
0xf7: {  	_ =	swait.ge [sflag:s12], $0x80  }
0xf8: {  	[sflag:s12] =	ssyncset.done $0x0  }
0xf9: {  	[sflag:s12] =	ssyncadd.s32 $0xFFFFFF80  }
0xfa: {  	_ =	swait.ge [sflag:s12], $0x80  }
0xfb: {  	[sflag:s12] =	ssyncset.done $0x0  }
0xfc: {  	[sflag:s12] =	ssyncadd.s32 $0xFFFFFF80  }
0xfd: {  	[tilespmem:s10], [sflag:$0x6] =	stream.indirect.gather [hbm4b:s1+s4], $0x80, s4, s4, $0xb8;
	[tilespmem:$0x1C400] =	vst v63  }
0xfe: {  	_ =	swait.ge [sflag:s14], $0x4000  }
0xff: {  	[sflag:s14] =	ssyncset.done $0x0  }
0x100: {  	s28 =	rddreg [dreg:$0x6];
	[sflag:s14] =	ssyncadd.s32 $0xFFFFC000  }
0x101: {  	[spmem:s2] =	stream.indirect.scatter.add.f32 [tilespmem:s9], [sflag:$0x7], $0x80, s0, s4, $0xb8;
	[tilespmem:$0x1C400] =	vst v63  }
0x102: {  	s29 =	rddreg [dreg:$0x7];
	s28 =	sadd.s32 s26, s28  }
0x103: {  	[tilespmem:s15], [sflag:$0x4] =	stream.linear.gather [hbm4b:s28+s3], $0x80, $0x38;
	[tilespmem:$0x1C400] =	vst v63  }
0x104: {  	s29 =	sadd.s32 s26, s29  }
0x105: {  	[tilespmem:s16], [sflag:$0x4] =	stream.linear.gather [hbm4b:s29+s3], $0x80, $0x38;
	[tilespmem:$0x1C400] =	vst v63  }
0x106: {  	_ =	swait.ge [sflag:s17], $0x4000  }
0x107: {  	[sflag:s17] =	ssyncset.done $0x0  }
0x108: {  	[sflag:s17] =	ssyncadd.s32 $0xFFFFC000  }
0x109: {  	_ =	swait.ge [sflag:s18], $0x80  }
0x10a: {  	[sflag:s18] =	ssyncset.done $0x0  }
0x10b: {  	[sflag:s18] =	ssyncadd.s32 $0xFFFFFF80  }
0x10c: {  	_ =	swait.ge [sflag:s18], $0x80  }
0x10d: {  	[sflag:s18] =	ssyncset.done $0x0  }
0x10e: {  	[sflag:s18] =	ssyncadd.s32 $0xFFFFFF80  }
0x10f: {  	[tilespmem:s9], [sflag:$0x5] =	stream.indirect.gather [hbm4b:s1+s4], $0x80, s6, s4, $0xb8;
	[tilespmem:$0x1C400] =	vst v63  }
0x110: {  	p0 =	sne.s32 s25, $0x4400;
	_ =	swait.ge [sflag:s19], $0x4000  }
.Ltmp0:
0x111: {  	[sflag:s19] =	ssyncset.done $0x0;
	s28 =	rddreg [dreg:$0x4];
	(pc) =	sbr.rel @p0 .LBB2_2-.Ltmp0, $4  }
0x112: {  	s29 =	rddreg [dreg:$0x5];
	[sflag:s19] =	ssyncadd.s32 $0xFFFFC000  }
0x113: {  	[spmem:s2] =	stream.indirect.scatter.add.f32 [tilespmem:s10], [sflag:$0x8], $0x80, s5, s4, $0xb8;
	[tilespmem:$0x1C400] =	vst v63  }
0x114: {  	s25 =	sadd.s32 $0x400, s25;
	s28 =	sadd.s32 s26, s28;
	s26 =	sadd.s32 s26, s29  }
0x115: {  	[tilespmem:s3], [sflag:$0x1] =	stream.linear.gather [hbm4b:s28+s3], $0x80, $0x38;
	[tilespmem:$0x1C400] =	vst v63  }
0x116: {  	[tilespmem:s0], [sflag:$0x1] =	stream.linear.gather [hbm4b:s26+s3], $0x80, $0x38;
	[tilespmem:$0x1C400] =	vst v63  }
0x117: {  	_ =	swait.ge [sflag:s20], $0x4000  }
0x118: {  	[sflag:s20] =	ssyncset.done $0x0  }
0x119: {  	[sflag:s20] =	ssyncadd.s32 $0xFFFFC000  }
0x11a: {  	_ =	swait.ge [sflag:s21], $0x80  }
0x11b: {  	[sflag:s21] =	ssyncset.done $0x0  }
0x11c: {  	[sflag:s21] =	ssyncadd.s32 $0xFFFFFF80  }
0x11d: {  	_ =	swait.ge [sflag:s21], $0x80  }
0x11e: {  	[sflag:s21] =	ssyncset.done $0x0  }
0x11f: {  	[sflag:s21] =	ssyncadd.s32 $0xFFFFFF80  }
0x120: {  	[tilespmem:s10], [sflag:$0x6] =	stream.indirect.gather [hbm4b:s1+s4], $0x80, s15, s4, $0xb8;
	[tilespmem:$0x1C400] =	vst v63  }
0x121: {  	_ =	swait.ge [sflag:s14], $0x4000  }
0x122: {  	[sflag:s14] =	ssyncset.done $0x0  }
0x123: {  	[sflag:s14] =	ssyncadd.s32 $0xFFFFC000  }
0x124: {  	[spmem:s2] =	stream.indirect.scatter.add.f32 [tilespmem:s9], [sflag:$0x7], $0x80, s7, s4, $0xb8;
	[tilespmem:$0x1C400] =	vst v63  }
0x125: {  	s25 =	rddreg [dreg:$0xf]  }
0x126: {  	[tilespmem:s4], [sflag:$0x2] =	stream.linear.gather [hbm4b:s25+s3], $0x80, $0x38;
	[tilespmem:$0x1C400] =	vst v63  }
0x127: {  	s29 =	rddreg [dreg:$0x17]  }
0x128: {  	[tilespmem:s5], [sflag:$0x2] =	stream.linear.gather [hbm4b:s29+s3], $0x80, $0x38;
	[tilespmem:$0x1C400] =	vst v63  }
0x129: {  	_ =	swait.ge [sflag:s17], $0x4000  }
0x12a: {  	[sflag:s17] =	ssyncset.done $0x0  }
0x12b: {  	[sflag:s17] =	ssyncadd.s32 $0xFFFFC000  }
0x12c: {  	_ =	swait.ge [sflag:s8], $0x80  }
0x12d: {  	[sflag:s8] =	ssyncset.done $0x0  }
0x12e: {  	[sflag:s8] =	ssyncadd.s32 $0xFFFFFF80  }
0x12f: {  	_ =	swait.ge [sflag:s8], $0x80  }
0x130: {  	[sflag:s8] =	ssyncset.done $0x0  }
0x131: {  	[sflag:s8] =	ssyncadd.s32 $0xFFFFFF80  }
0x132: {  	[tilespmem:s9], [sflag:$0x5] =	stream.indirect.gather [hbm4b:s1+s4], $0x80, s3, s4, $0xb8;
	[tilespmem:$0x1C400] =	vst v63  }
0x133: {  	_ =	swait.ge [sflag:s19], $0x4000  }
0x134: {  	[sflag:s19] =	ssyncset.done $0x0  }
0x135: {  	[sflag:s19] =	ssyncadd.s32 $0xFFFFC000  }
0x136: {  	[spmem:s2] =	stream.indirect.scatter.add.f32 [tilespmem:s10], [sflag:$0x8], $0x80, s16, s4, $0xb8;
	[tilespmem:$0x1C400] =	vst v63  }
0x137: {  	s26 =	rddreg [dreg:$0x10]  }
0x138: {  	[tilespmem:s6], [sflag:$0x3] =	stream.linear.gather [hbm4b:s26+s3], $0x80, $0x38;
	[tilespmem:$0x1C400] =	vst v63  }
0x139: {  	s28 =	rddreg [dreg:$0x18]  }
0x13a: {  	[tilespmem:s7], [sflag:$0x3] =	stream.linear.gather [hbm4b:s28+s3], $0x80, $0x38;
	[tilespmem:$0x1C400] =	vst v63  }
0x13b: {  	_ =	swait.ge [sflag:s20], $0x4000  }
0x13c: {  	[sflag:s20] =	ssyncset.done $0x0  }
0x13d: {  	[sflag:s20] =	ssyncadd.s32 $0xFFFFC000  }
0x13e: {  	_ =	swait.ge [sflag:s12], $0x80  }
0x13f: {  	[sflag:s12] =	ssyncset.done $0x0  }
0x140: {  	[sflag:s12] =	ssyncadd.s32 $0xFFFFFF80  }
0x141: {  	_ =	swait.ge [sflag:s12], $0x80  }
0x142: {  	[sflag:s12] =	ssyncset.done $0x0  }
0x143: {  	[sflag:s12] =	ssyncadd.s32 $0xFFFFFF80  }
0x144: {  	[tilespmem:s10], [sflag:$0x6] =	stream.indirect.gather [hbm4b:s1+s4], $0x80, s4, s4, $0xb8;
	[tilespmem:$0x1C400] =	vst v63  }
0x145: {  	_ =	swait.ge [sflag:s14], $0x4000  }
0x146: {  	[sflag:s14] =	ssyncset.done $0x0  }
0x147: {  	[sflag:s14] =	ssyncadd.s32 $0xFFFFC000  }
0x148: {  	[spmem:s2] =	stream.indirect.scatter.add.f32 [tilespmem:s9], [sflag:$0x7], $0x80, s0, s4, $0xb8;
	[tilespmem:$0x1C400] =	vst v63  }
0x149: {  	s29 =	rddreg [dreg:$0x11]  }
0x14a: {  	[tilespmem:s15], [sflag:$0x4] =	stream.linear.gather [hbm4b:s29+s3], $0x80, $0x38;
	[tilespmem:$0x1C400] =	vst v63  }
0x14b: {  	s26 =	rddreg [dreg:$0x19]  }
0x14c: {  	[tilespmem:s16], [sflag:$0x4] =	stream.linear.gather [hbm4b:s26+s3], $0x80, $0x38;
	[tilespmem:$0x1C400] =	vst v63  }
0x14d: {  	_ =	swait.ge [sflag:s17], $0x4000  }
0x14e: {  	[sflag:s17] =	ssyncset.done $0x0  }
0x14f: {  	[sflag:s17] =	ssyncadd.s32 $0xFFFFC000  }
0x150: {  	_ =	swait.ge [sflag:s18], $0x80  }
0x151: {  	[sflag:s18] =	ssyncset.done $0x0  }
0x152: {  	[sflag:s18] =	ssyncadd.s32 $0xFFFFFF80  }
0x153: {  	_ =	swait.ge [sflag:s18], $0x80  }
0x154: {  	[sflag:s18] =	ssyncset.done $0x0  }
0x155: {  	[sflag:s18] =	ssyncadd.s32 $0xFFFFFF80  }
0x156: {  	[tilespmem:s9], [sflag:$0x5] =	stream.indirect.gather [hbm4b:s1+s4], $0x80, s6, s4, $0xb8;
	[tilespmem:$0x1C400] =	vst v63  }
0x157: {  	_ =	swait.ge [sflag:s19], $0x4000  }
0x158: {  	[sflag:s19] =	ssyncset.done $0x0  }
0x159: {  	[sflag:s19] =	ssyncadd.s32 $0xFFFFC000  }
0x15a: {  	[spmem:s2] =	stream.indirect.scatter.add.f32 [tilespmem:s10], [sflag:$0x8], $0x80, s5, s4, $0xb8;
	[tilespmem:$0x1C400] =	vst v63  }
0x15b: {  	_ =	swait.ge [sflag:s20], $0x4000  }
0x15c: {  	[sflag:s20] =	ssyncset.done $0x0  }
0x15d: {  	[sflag:s20] =	ssyncadd.s32 $0xFFFFC000  }
0x15e: {  	_ =	swait.ge [sflag:s21], $0x80  }
0x15f: {  	[sflag:s21] =	ssyncset.done $0x0  }
0x160: {  	[sflag:s21] =	ssyncadd.s32 $0xFFFFFF80  }
0x161: {  	_ =	swait.ge [sflag:s21], $0x80  }
0x162: {  	[sflag:s21] =	ssyncset.done $0x0  }
0x163: {  	[sflag:s21] =	ssyncadd.s32 $0xFFFFFF80  }
0x164: {  	[tilespmem:s10], [sflag:$0x6] =	stream.indirect.gather [hbm4b:s1+s4], $0x80, s15, s4, $0xb8;
	[tilespmem:$0x1C400] =	vst v63  }
0x165: {  	_ =	swait.ge [sflag:s14], $0x4000  }
0x166: {  	[sflag:s14] =	ssyncset.done $0x0  }
0x167: {  	[sflag:s14] =	ssyncadd.s32 $0xFFFFC000  }
0x168: {  	[spmem:s2] =	stream.indirect.scatter.add.f32 [tilespmem:s9], [sflag:$0x7], $0x80, s7, s4, $0xb8;
	[tilespmem:$0x1C400] =	vst v63  }
0x169: {  	_ =	swait.ge [sflag:s17], $0x4000  }
0x16a: {  	[sflag:s17] =	ssyncset.done $0x0  }
0x16b: {  	[sflag:s17] =	ssyncadd.s32 $0xFFFFC000  }
0x16c: {  	_ =	swait.ge [sflag:s19], $0x4000  }
0x16d: {  	[sflag:s19] =	ssyncset.done $0x0  }
0x16e: {  	[sflag:s19] =	ssyncadd.s32 $0xFFFFC000  }
0x16f: {  	[spmem:s2] =	stream.indirect.scatter.add.f32 [tilespmem:s10], [sflag:$0x8], $0x80, s16, s4, $0xb8;
	[tilespmem:$0x1C400] =	vst v63  }
0x170: {  	_ =	swait.ge [sflag:s20], $0x4000  }
0x171: {  	[sflag:s20] =	ssyncset.done $0x0  }
0x172: {  	s28 =	stileid.u32;
	[sflag:s20] =	ssyncadd.s32 $0xFFFFC000  }
0x173: {  	s25 =	sshll.u32 s28, $0x6;
	[bflag:$0x0] =	sbarrier.arrive $0xFFFF  }
0x174: {  	s25 =	sor.u32 $0x1C09, s25;
	s29 =	sshrl.u32 s24, $0x3;
	s28 =	rddreg [dreg:$0x1b]  }
0x175: {  	[hbm:s28], [sflag:s25] =	dma.local [spmem:s29], $0x2800  }
0x176: {  	_ =	swait.ge [sflag:s11], $0x2800  }
0x177: {  	s23 =	sadd.s32 $0x1, s23;
	s29 =	rddreg [dreg:$0x1c]  }
0x178: {  	p0 =	sne.s32 s23, s29  }
.Ltmp1:
0x179: {  	_ = 	snop;
	(pc) =	sbr.rel @p0 .LBB2_1-.Ltmp1, $3  }
0x17a: {  	_ =	sdelay $0x1  }
0x17b: {  	[sflag:s11] =	ssyncset.done $0x0  }
0x17c: {  	[sflag:s11] =	ssyncadd.s32 $0xFFFFD800  }
0x17d: {  	_ =	sfence.sel $0x180000  }
0x17e: {  	[bflag:$0x0] =	sbarrier.arrive $0xFFFF  }
0x17f: {  	_ =	strace $0x90000047  }
0x180: {  	s0 =	stileid.u32;
	[bflag:$0x2] =	sbarrier.arrive $0xFFFF  }
0x181: {  	p0 =	sne.s32 s0, $0x0;
	s0 =	rddreg [dreg:$0x3]  }
0x182: {  	s0 =	sadd.s32 @!p0 $0x100000, s0  }
0x183: {  	[sflag:s0] =	ssyncadd.tile.s32 @!p0 $0x1;
	_ =	shalt  }
.Lfunc_end2:
_tile_overlayer_lowered:
.L_overlay_start_2:
0x184: {  	(tag) =	ssettag $0x2  }
0x185: {  	s0 =	rddreg [dreg:$0x0];
	s2 =	stileid.u32  }
0x186: {  	s1 =	rddreg [dreg:$0x1];
	p0 =	sne.s32 s2, $0x0  }
0x187: {  	s3 =	rddreg [dreg:$0x2];
	[bflag:$0x3] =	sbarrier.arrive $0xFFFF;
	s2 =	simm.s32 @!p0 $0x1C09  }
0x188: {  	[timem:s3], [sflag:s2] =	dma.local @!p0 [hbm:s0], s1  }
0x189: {  	s0 =	simm.s32 @!p0 $0x9  }
0x18a: {  	_ =	swait.ge @!p0 [sflag:s0], s1  }
0x18b: {  	s1 =	ssub.s32 @!p0 $0x0, s1;
	[sflag:s0] =	ssyncset.done @!p0 $0x0  }
0x18c: {  	[sflag:s0] =	ssyncadd.s32 @!p0 s1  }
0x18d: {  	[bflag:$0x3] =	sbarrier.arrive $0xFFFF  }
0x18e: {  	_ =	shalt  }

</sc_bundles>
